<compile_context>
chip_gen: v7x
topology: tpu7x:2x2x1
jax: 0.10.2.dev20260603
libtpu: 0.0.44.dev20260713+nightly
codegen_flags: <defaults>
</compile_context>

<pallas_src>
import jax
import jax.numpy as jnp
from jax import lax
from jax.experimental import pallas as pl
from jax.experimental.pallas import tpu as pltpu
from jax.experimental.pallas import tpu_sc as plsc

N = 10000
E = 320000
F = 128
HID = 256
NC = 2
NS = 16
NW = NC * NS
EPW = E // NW
CHUNK = 125
NCHUNK = EPW // CHUNK
RPT = 1000
NDT = N // RPT

_MESH = plsc.VectorSubcoreMesh(core_axis_name="c", subcore_axis_name="s")


def _deg_body(dst_hbm, ones_hbm, zeros_hbm, out_hbm, dstv, onesv, stage, acc):
    c = lax.axis_index("c")
    s = lax.axis_index("s")
    wid = c * NS + s

    @pl.when(s < NDT)
    def _():
        pltpu.sync_copy(zeros_hbm, stage)
        pltpu.sync_copy(stage, acc.at[pl.ds(s * RPT, RPT)])

    pltpu.sync_copy(dst_hbm.at[wid], dstv)
    pltpu.sync_copy(ones_hbm, onesv)
    plsc.subcore_barrier()

    def body(j, carry):
        pltpu.sync_copy(onesv, acc.at[dstv.at[j]], add=True)
        return carry

    lax.fori_loop(0, NCHUNK, body, 0)
    plsc.subcore_barrier()

    @pl.when(s < NDT)
    def _():
        pltpu.sync_copy(acc.at[pl.ds(s * RPT, RPT)], stage)
        pltpu.sync_copy(stage, out_hbm.at[pl.ds(c * N + s * RPT, RPT)])


_deg_kernel = pl.kernel(
    _deg_body,
    out_type=jax.ShapeDtypeStruct((NC * N,), jnp.float32),
    mesh=_MESH,
    scratch_types=[
        pltpu.VMEM((NCHUNK, CHUNK), jnp.int32),
        pltpu.VMEM((CHUNK,), jnp.float32),
        pltpu.VMEM((RPT,), jnp.float32),
        pltpu.VMEM_SHARED((N,), jnp.float32),
    ],
)


SROWS = 40
NSTAGE = RPT // SROWS


def _edge_body(y_hbm, src_hbm, dst_hbm, zrows_hbm, out_hbm,
               srcv, dstv, buf, stage, acc, gsem):
    c = lax.axis_index("c")
    s = lax.axis_index("s")
    wid = c * NS + s

    @pl.when(s < NDT)
    def _():
        pltpu.sync_copy(zrows_hbm, stage)

        def zbody(k, carry):
            pltpu.sync_copy(stage, acc.at[pl.ds(s * RPT + k * SROWS, SROWS)])
            return carry

        lax.fori_loop(0, NSTAGE, zbody, 0)

    pltpu.sync_copy(src_hbm.at[wid], srcv)
    pltpu.sync_copy(dst_hbm.at[wid], dstv)
    plsc.subcore_barrier()

    def body(j, carry):
        pltpu.async_copy(y_hbm.at[srcv.at[j]], buf, gsem).wait()
        pltpu.sync_copy(buf, acc.at[dstv.at[j]], add=True)
        return carry

    lax.fori_loop(0, NCHUNK, body, 0)
    plsc.subcore_barrier()

    @pl.when(s < NDT)
    def _():
        def wbody(k, carry):
            pltpu.sync_copy(acc.at[pl.ds(s * RPT + k * SROWS, SROWS)], stage)
            pltpu.sync_copy(stage, out_hbm.at[c, pl.ds(s * RPT + k * SROWS, SROWS)])
            return carry

        lax.fori_loop(0, NSTAGE, wbody, 0)


_edge_kernel = pl.kernel(
    _edge_body,
    out_type=jax.ShapeDtypeStruct((NC, N, F), jnp.float32),
    mesh=_MESH,
    scratch_types=[
        pltpu.VMEM((NCHUNK, CHUNK), jnp.int32),
        pltpu.VMEM((NCHUNK, CHUNK), jnp.int32),
        pltpu.VMEM((CHUNK, F), jnp.float32),
        pltpu.VMEM((SROWS, F), jnp.float32),
        pltpu.VMEM_SHARED((N, F), jnp.float32),
        pltpu.SemaphoreType.DMA,
    ],
)


NB = 1000
_GRID = N // NB


def _prep_body(degp, x, y, dinv):
    d = degp[0] + degp[1] + 1.0
    di = lax.rsqrt(d)
    dinv[...] = di
    y[...] = x[...] * di


_prep = pl.pallas_call(
    _prep_body,
    grid=(_GRID,),
    in_specs=[
        pl.BlockSpec((NC, NB, 1), lambda i: (0, i, 0)),
        pl.BlockSpec((NB, F), lambda i: (i, 0)),
    ],
    out_specs=[
        pl.BlockSpec((NB, F), lambda i: (i, 0)),
        pl.BlockSpec((NB, 1), lambda i: (i, 0)),
    ],
    out_shape=[
        jax.ShapeDtypeStruct((N, F), jnp.float32),
        jax.ShapeDtypeStruct((N, 1), jnp.float32),
    ],
)


def _mid_body(part, y, dinv, W1, b1, W2, y2):
    p1 = dinv[...] * (part[0] + part[1] + y[...])
    h = jnp.dot(p1, W1[...], preferred_element_type=jnp.float32) + b1[...]
    z = jnp.dot(h, W2[...], preferred_element_type=jnp.float32)
    y2[...] = dinv[...] * z


_mid = pl.pallas_call(
    _mid_body,
    grid=(_GRID,),
    in_specs=[
        pl.BlockSpec((NC, NB, F), lambda i: (0, i, 0)),
        pl.BlockSpec((NB, F), lambda i: (i, 0)),
        pl.BlockSpec((NB, 1), lambda i: (i, 0)),
        pl.BlockSpec((F, HID), lambda i: (0, 0)),
        pl.BlockSpec((1, HID), lambda i: (0, 0)),
        pl.BlockSpec((HID, F), lambda i: (0, 0)),
    ],
    out_specs=pl.BlockSpec((NB, F), lambda i: (i, 0)),
    out_shape=jax.ShapeDtypeStruct((N, F), jnp.float32),
)


def _fin_body(part, y2, dinv, b2, g, out):
    emb = dinv[...] * (part[0] + part[1] + y2[...]) + b2[...]
    logit = emb + g[...]
    m = jnp.max(logit, axis=1, keepdims=True)
    col = lax.broadcasted_iota(jnp.int32, logit.shape, 1)
    first = jnp.min(jnp.where(logit >= m, col, F), axis=1, keepdims=True)
    out[...] = (col == first).astype(jnp.float32)


_fin = pl.pallas_call(
    _fin_body,
    grid=(_GRID,),
    in_specs=[
        pl.BlockSpec((NC, NB, F), lambda i: (0, i, 0)),
        pl.BlockSpec((NB, F), lambda i: (i, 0)),
        pl.BlockSpec((NB, 1), lambda i: (i, 0)),
        pl.BlockSpec((1, F), lambda i: (0, 0)),
        pl.BlockSpec((NB, F), lambda i: (i, 0)),
    ],
    out_specs=pl.BlockSpec((NB, F), lambda i: (i, 0)),
    out_shape=jax.ShapeDtypeStruct((N, F), jnp.float32),
)


def kernel(x, edge_index, W1, b1, W2, b2, gumbel):
    src = edge_index[0].reshape(NW, NCHUNK, CHUNK)
    dst = edge_index[1].reshape(NW, NCHUNK, CHUNK)
    ones = jnp.ones((CHUNK,), jnp.float32)
    zeros1 = jnp.zeros((RPT,), jnp.float32)
    zrows = jnp.zeros((SROWS, F), jnp.float32)

    degp = _deg_kernel(dst, ones, zeros1)
    y, dinv = _prep(degp.reshape(NC, N, 1), x)
    part1 = _edge_kernel(y, src, dst, zrows)
    y2 = _mid(part1, y, dinv, W1, b1.reshape(1, HID), W2)
    part2 = _edge_kernel(y2, src, dst, zrows)
    return _fin(part2, y2, dinv, b2.reshape(1, F), gumbel)

# --- scband reference (transcript-rebuilt; emitter-appended) ---
"""Pipeline reference for scband-gcnnet-82205674045498 (READ-ONLY COPY).

The authoritative reference and input builder live on the scoring server;
editing this copy changes nothing except your own understanding.
"""

import jax, jax.numpy as jnp
import numpy as np

N = 10000
E = 320000
F_IN = 128
EMB = 128
HID = EMB * 2
SLOPE = 1.0
TEMP = 0.6
EPS = 1e-20


def setup_inputs(seed: int = 0) -> dict:
    key = jax.random.key(seed)
    ks = jax.random.split(key, 8)
    x = jax.random.normal(ks[0], (N, F_IN), dtype=jnp.float32)
    edge_index = jax.random.randint(ks[1], (2, E), 0, N, dtype=jnp.int32)
    # GCNConv parameters (glorot-ish scaling)
    W1 = jax.random.normal(ks[2], (F_IN, HID), dtype=jnp.float32) * (1.0 / np.sqrt(F_IN))
    b1 = jnp.zeros((HID,), dtype=jnp.float32)
    W2 = jax.random.normal(ks[3], (HID, EMB), dtype=jnp.float32) * (1.0 / np.sqrt(HID))
    b2 = jnp.zeros((EMB,), dtype=jnp.float32)
    # Pre-sampled gumbel noise (torch samples torch.rand at forward time; fixed here for determinism)
    U = jax.random.uniform(ks[4], (N, EMB), dtype=jnp.float32)
    gumbel = -jnp.log(-jnp.log(U + EPS) + EPS)
    return {"x": x, "edge_index": edge_index, "W1": W1, "b1": b1, "W2": W2, "b2": b2, "gumbel": gumbel}


def _gcn_conv(x, edge_index, W, b):
    # GCNConv: out = D^{-1/2} (A + I) D^{-1/2} X W + b
    loop = jnp.arange(N, dtype=edge_index.dtype)
    src = jnp.concatenate([edge_index[0], loop])
    dst = jnp.concatenate([edge_index[1], loop])
    deg = jnp.zeros((N,), dtype=x.dtype).at[dst].add(1.0)
    dinv = jax.lax.rsqrt(deg)
    norm = dinv[src] * dinv[dst]
    h = x @ W
    msg = jnp.take(h, src, axis=0) * norm[:, None]
    out = jnp.zeros((N, W.shape[1]), dtype=x.dtype).at[dst].add(msg)
    return out + b


def _gumbel_softmax(logits, gumbel, temperature):
    y = jax.nn.softmax((logits + gumbel) / temperature, axis=-1)
    ind = jnp.argmax(y, axis=-1)
    y_hard = jax.nn.one_hot(ind, y.shape[-1], dtype=y.dtype)
    return jax.lax.stop_gradient(y_hard - y) + y


def reference(x, edge_index, W1, b1, W2, b2, gumbel):
    h = jax.nn.leaky_relu(_gcn_conv(x, edge_index, W1, b1), SLOPE)
    emb = _gcn_conv(h, edge_index, W2, b2)
    return _gumbel_softmax(emb, gumbel, TEMP)

if __name__ == "__main__":
    import jax
    _d = setup_inputs()
    print(jax.jit(kernel)(*tuple(_d.values())))

</pallas_src>

<mosaic_0001>
#map = affine_map<(d0, d1) -> (0, 0)>
#map1 = affine_map<(d0, d1) -> (0, 0, 0)>
module attributes {stable_mosaic.version = 14 : i64} {
  func.func @_edge_body(%arg0: i32, %arg1: i32, %arg2: memref<10000x128xf32, #tpu.memory_space<hbm>>, %arg3: memref<32x80x125xi32, #tpu.memory_space<hbm>>, %arg4: memref<32x80x125xi32, #tpu.memory_space<hbm>>, %arg5: memref<40x128xf32, #tpu.memory_space<hbm>>, %arg6: memref<2x10000x128xf32, #tpu.memory_space<hbm>>, %arg7: memref<80x125xi32, #tpu.memory_space<vmem>>, %arg8: memref<80x125xi32, #tpu.memory_space<vmem>>, %arg9: memref<125x128xf32, #tpu.memory_space<vmem>>, %arg10: memref<40x128xf32, #tpu.memory_space<vmem>>, %arg11: memref<10000x128xf32, #tpu.memory_space<vmem_shared>>, %arg12: memref<!tpu.dma_semaphore, #tpu.memory_space<semaphore_mem>>) attributes {dimension_semantics = [#tpu.dimension_semantics<core_parallel>, #tpu.dimension_semantics<subcore_parallel>], iteration_bounds = array<i64: 2, 16>, scalar_prefetch = 0 : i64, scratch_operands = 6 : i64, tpu.core_type = #tpu.core_type<sc_vector_subcore>, window_params = [{transform_indices = #map}, {transform_indices = #map1}, {transform_indices = #map1}, {transform_indices = #map}, {transform_indices = #map1}]} {
    %mul3A = arith.constant 16 : i32
    %mul3A_0 = arith.muli %arg0, %mul3A : i32
    %add3A = arith.addi %mul3A_0, %arg1 : i32
    %lt3A = arith.constant 10 : i32
    %lt3A_1 = arith.cmpi slt, %arg1, %lt3A : i32
    %convert_element_type3A = arith.extui %lt3A_1 : i1 to i32
    %cond3A = arith.constant 0 : i32
    %cond3A_2 = arith.cmpi ne, %convert_element_type3A, %cond3A : i32
    scf.if %cond3A_2 {
      "tpu.region"() ({
        %run_scoped3A = tpu.sem_alloc : memref<!tpu.dma_semaphore, #tpu.memory_space<semaphore_mem>>
        tpu.enqueue_dma source(%arg5 : memref<40x128xf32, #tpu.memory_space<hbm>>) target(%arg10 : memref<40x128xf32, #tpu.memory_space<vmem>>) target_semaphore(%run_scoped3A : memref<!tpu.dma_semaphore, #tpu.memory_space<semaphore_mem>>)
        tpu.wait_dma2 semaphore(%run_scoped3A : memref<!tpu.dma_semaphore, #tpu.memory_space<semaphore_mem>>) src(%arg5 : memref<40x128xf32, #tpu.memory_space<hbm>>) dst(%arg10 : memref<40x128xf32, #tpu.memory_space<vmem>>)
        tpu.yield
      }) : () -> ()
      %scan3A_14 = arith.constant 0 : i32
      %scan3A_15 = arith.constant 0 : i32
      %scan3A_16 = arith.constant 25 : i32
      %scan3A_17 = arith.addi %scan3A_15, %scan3A_16 : i32
      %scan3A_18 = arith.constant 1 : i32
      scf.for %scan3A_20 = %scan3A_15 to %scan3A_17 step %scan3A_18  : i32 {
        %mul3A_21 = arith.constant 1000 : i32
        %mul3A_22 = arith.muli %arg1, %mul3A_21 : i32
        %mul3A_23 = arith.constant 40 : i32
        %mul3A_24 = arith.muli %scan3A_20, %mul3A_23 : i32
        %add3A_25 = arith.addi %mul3A_22, %mul3A_24 : i32
        "tpu.region"() ({
          %run_scoped3A = tpu.sem_alloc : memref<!tpu.dma_semaphore, #tpu.memory_space<semaphore_mem>>
          %dma_start3A = arith.constant 0 : i32
          %dma_start3A_26 = tpu.memref_slice %arg11[%add3A_25, %dma_start3A] : memref<10000x128xf32, #tpu.memory_space<vmem_shared>> -> memref<40x128xf32, #tpu.memory_space<vmem_shared>>
          %dma_start3A_27 = arith.constant 0 : i32
          %dma_start3A_28 = tpu.memref_slice %arg11[%add3A_25, %dma_start3A_27] : memref<10000x128xf32, #tpu.memory_space<vmem_shared>> -> memref<40x128xf32, #tpu.memory_space<vmem_shared>>
          tpu.enqueue_dma source(%arg10 : memref<40x128xf32, #tpu.memory_space<vmem>>) target(%dma_start3A_28 : memref<40x128xf32, #tpu.memory_space<vmem_shared>>) target_semaphore(%run_scoped3A : memref<!tpu.dma_semaphore, #tpu.memory_space<semaphore_mem>>)
          %dma_wait3A = arith.constant 0 : i32
          %dma_wait3A_29 = tpu.memref_slice %arg11[%add3A_25, %dma_wait3A] : memref<10000x128xf32, #tpu.memory_space<vmem_shared>> -> memref<40x128xf32, #tpu.memory_space<vmem_shared>>
          %dma_wait3A_30 = arith.constant 0 : i32
          %dma_wait3A_31 = tpu.memref_slice %arg11[%add3A_25, %dma_wait3A_30] : memref<10000x128xf32, #tpu.memory_space<vmem_shared>> -> memref<40x128xf32, #tpu.memory_space<vmem_shared>>
          tpu.wait_dma2 semaphore(%run_scoped3A : memref<!tpu.dma_semaphore, #tpu.memory_space<semaphore_mem>>) src(%arg10 : memref<40x128xf32, #tpu.memory_space<vmem>>) dst(%dma_wait3A_31 : memref<40x128xf32, #tpu.memory_space<vmem_shared>>)
          tpu.yield
        }) : () -> ()
      }
      %scan3A_19 = arith.constant 25 : i32
    } else {
    }
    "tpu.region"() ({
      %run_scoped3A = tpu.sem_alloc : memref<!tpu.dma_semaphore, #tpu.memory_space<semaphore_mem>>
      %dma_start3A = arith.constant 0 : i32
      %dma_start3A_14 = arith.constant 0 : i32
      %dma_start3A_15 = tpu.memref_slice %arg3[%add3A, %dma_start3A, %dma_start3A_14] : memref<32x80x125xi32, #tpu.memory_space<hbm>> -> memref<1x80x125xi32, #tpu.memory_space<hbm>>
      %dma_start3A_16 = tpu.memref_squeeze %dma_start3A_15 : memref<1x80x125xi32, #tpu.memory_space<hbm>> -> memref<80x125xi32, #tpu.memory_space<hbm>>
      %dma_start3A_17 = arith.constant 0 : i32
      %dma_start3A_18 = arith.constant 0 : i32
      %dma_start3A_19 = tpu.memref_slice %arg3[%add3A, %dma_start3A_17, %dma_start3A_18] : memref<32x80x125xi32, #tpu.memory_space<hbm>> -> memref<1x80x125xi32, #tpu.memory_space<hbm>>
      %dma_start3A_20 = tpu.memref_squeeze %dma_start3A_19 : memref<1x80x125xi32, #tpu.memory_space<hbm>> -> memref<80x125xi32, #tpu.memory_space<hbm>>
      tpu.enqueue_dma source(%dma_start3A_20 : memref<80x125xi32, #tpu.memory_space<hbm>>) target(%arg7 : memref<80x125xi32, #tpu.memory_space<vmem>>) target_semaphore(%run_scoped3A : memref<!tpu.dma_semaphore, #tpu.memory_space<semaphore_mem>>)
      %dma_wait3A = arith.constant 0 : i32
      %dma_wait3A_21 = arith.constant 0 : i32
      %dma_wait3A_22 = tpu.memref_slice %arg3[%add3A, %dma_wait3A, %dma_wait3A_21] : memref<32x80x125xi32, #tpu.memory_space<hbm>> -> memref<1x80x125xi32, #tpu.memory_space<hbm>>
      %dma_wait3A_23 = tpu.memref_squeeze %dma_wait3A_22 : memref<1x80x125xi32, #tpu.memory_space<hbm>> -> memref<80x125xi32, #tpu.memory_space<hbm>>
      %dma_wait3A_24 = arith.constant 0 : i32
      %dma_wait3A_25 = arith.constant 0 : i32
      %dma_wait3A_26 = tpu.memref_slice %arg3[%add3A, %dma_wait3A_24, %dma_wait3A_25] : memref<32x80x125xi32, #tpu.memory_space<hbm>> -> memref<1x80x125xi32, #tpu.memory_space<hbm>>
      %dma_wait3A_27 = tpu.memref_squeeze %dma_wait3A_26 : memref<1x80x125xi32, #tpu.memory_space<hbm>> -> memref<80x125xi32, #tpu.memory_space<hbm>>
      tpu.wait_dma2 semaphore(%run_scoped3A : memref<!tpu.dma_semaphore, #tpu.memory_space<semaphore_mem>>) src(%dma_wait3A_27 : memref<80x125xi32, #tpu.memory_space<hbm>>) dst(%arg7 : memref<80x125xi32, #tpu.memory_space<vmem>>)
      tpu.yield
    }) : () -> ()
    "tpu.region"() ({
      %run_scoped3A = tpu.sem_alloc : memref<!tpu.dma_semaphore, #tpu.memory_space<semaphore_mem>>
      %dma_start3A = arith.constant 0 : i32
      %dma_start3A_14 = arith.constant 0 : i32
      %dma_start3A_15 = tpu.memref_slice %arg4[%add3A, %dma_start3A, %dma_start3A_14] : memref<32x80x125xi32, #tpu.memory_space<hbm>> -> memref<1x80x125xi32, #tpu.memory_space<hbm>>
      %dma_start3A_16 = tpu.memref_squeeze %dma_start3A_15 : memref<1x80x125xi32, #tpu.memory_space<hbm>> -> memref<80x125xi32, #tpu.memory_space<hbm>>
      %dma_start3A_17 = arith.constant 0 : i32
      %dma_start3A_18 = arith.constant 0 : i32
      %dma_start3A_19 = tpu.memref_slice %arg4[%add3A, %dma_start3A_17, %dma_start3A_18] : memref<32x80x125xi32, #tpu.memory_space<hbm>> -> memref<1x80x125xi32, #tpu.memory_space<hbm>>
      %dma_start3A_20 = tpu.memref_squeeze %dma_start3A_19 : memref<1x80x125xi32, #tpu.memory_space<hbm>> -> memref<80x125xi32, #tpu.memory_space<hbm>>
      tpu.enqueue_dma source(%dma_start3A_20 : memref<80x125xi32, #tpu.memory_space<hbm>>) target(%arg8 : memref<80x125xi32, #tpu.memory_space<vmem>>) target_semaphore(%run_scoped3A : memref<!tpu.dma_semaphore, #tpu.memory_space<semaphore_mem>>)
      %dma_wait3A = arith.constant 0 : i32
      %dma_wait3A_21 = arith.constant 0 : i32
      %dma_wait3A_22 = tpu.memref_slice %arg4[%add3A, %dma_wait3A, %dma_wait3A_21] : memref<32x80x125xi32, #tpu.memory_space<hbm>> -> memref<1x80x125xi32, #tpu.memory_space<hbm>>
      %dma_wait3A_23 = tpu.memref_squeeze %dma_wait3A_22 : memref<1x80x125xi32, #tpu.memory_space<hbm>> -> memref<80x125xi32, #tpu.memory_space<hbm>>
      %dma_wait3A_24 = arith.constant 0 : i32
      %dma_wait3A_25 = arith.constant 0 : i32
      %dma_wait3A_26 = tpu.memref_slice %arg4[%add3A, %dma_wait3A_24, %dma_wait3A_25] : memref<32x80x125xi32, #tpu.memory_space<hbm>> -> memref<1x80x125xi32, #tpu.memory_space<hbm>>
      %dma_wait3A_27 = tpu.memref_squeeze %dma_wait3A_26 : memref<1x80x125xi32, #tpu.memory_space<hbm>> -> memref<80x125xi32, #tpu.memory_space<hbm>>
      tpu.wait_dma2 semaphore(%run_scoped3A : memref<!tpu.dma_semaphore, #tpu.memory_space<semaphore_mem>>) src(%dma_wait3A_27 : memref<80x125xi32, #tpu.memory_space<hbm>>) dst(%arg8 : memref<80x125xi32, #tpu.memory_space<vmem>>)
      tpu.yield
    }) : () -> ()
    %barrier3A = arith.constant 0 : index
    tpu.barrier barrier_id(%barrier3A)
    %scan3A = arith.constant 0 : i32
    %scan3A_3 = arith.constant 0 : i32
    %scan3A_4 = arith.constant 80 : i32
    %scan3A_5 = arith.addi %scan3A_3, %scan3A_4 : i32
    %scan3A_6 = arith.constant 1 : i32
    scf.for %scan3A_14 = %scan3A_3 to %scan3A_5 step %scan3A_6  : i32 {
      %dma_start3A = arith.constant 0 : i32
      %dma_start3A_15 = tpu.memref_slice %arg7[%scan3A_14, %dma_start3A] : memref<80x125xi32, #tpu.memory_space<vmem>> -> memref<1x125xi32, #tpu.memory_space<vmem>>
      %dma_start3A_16 = tpu.memref_squeeze %dma_start3A_15 : memref<1x125xi32, #tpu.memory_space<vmem>> -> memref<125xi32, #tpu.memory_space<vmem>>
      %dma_start3A_17 = arith.constant 0 : i32
      %dma_start3A_18 = arith.constant 0 : i32
      %dma_start3A_19 = tpu.memref_slice %arg2[%dma_start3A_17, %dma_start3A_18] : memref<10000x128xf32, #tpu.memory_space<hbm>> -> memref<10000x128xf32, #tpu.memory_space<hbm>>
      tpu.enqueue_indirect_dma source(%dma_start3A_19 : memref<10000x128xf32, #tpu.memory_space<hbm>>) target(%arg9 : memref<125x128xf32, #tpu.memory_space<vmem>>) offsets(%dma_start3A_16 : memref<125xi32, #tpu.memory_space<vmem>>) semaphore(%arg12 : memref<!tpu.dma_semaphore, #tpu.memory_space<semaphore_mem>>)
      %dma_wait3A = arith.constant 0 : i32
      %dma_wait3A_20 = tpu.memref_slice %arg7[%scan3A_14, %dma_wait3A] : memref<80x125xi32, #tpu.memory_space<vmem>> -> memref<1x125xi32, #tpu.memory_space<vmem>>
      %dma_wait3A_21 = tpu.memref_squeeze %dma_wait3A_20 : memref<1x125xi32, #tpu.memory_space<vmem>> -> memref<125xi32, #tpu.memory_space<vmem>>
      %dma_wait3A_22 = arith.constant 0 : i32
      %dma_wait3A_23 = arith.constant 0 : i32
      %dma_wait3A_24 = tpu.memref_slice %arg2[%dma_wait3A_22, %dma_wait3A_23] : memref<10000x128xf32, #tpu.memory_space<hbm>> -> memref<10000x128xf32, #tpu.memory_space<hbm>>
      tpu.wait_indirect_dma semaphore(%arg12 : memref<!tpu.dma_semaphore, #tpu.memory_space<semaphore_mem>>) src(%dma_wait3A_24 : memref<10000x128xf32, #tpu.memory_space<hbm>>) dst(%arg9 : memref<125x128xf32, #tpu.memory_space<vmem>>)
      "tpu.region"() ({
        %run_scoped3A = tpu.sem_alloc : memref<!tpu.dma_semaphore, #tpu.memory_space<semaphore_mem>>
        %dma_start3A_25 = arith.constant 0 : i32
        %dma_start3A_26 = tpu.memref_slice %arg8[%scan3A_14, %dma_start3A_25] : memref<80x125xi32, #tpu.memory_space<vmem>> -> memref<1x125xi32, #tpu.memory_space<vmem>>
        %dma_start3A_27 = tpu.memref_squeeze %dma_start3A_26 : memref<1x125xi32, #tpu.memory_space<vmem>> -> memref<125xi32, #tpu.memory_space<vmem>>
        %dma_start3A_28 = arith.constant 0 : i32
        %dma_start3A_29 = arith.constant 0 : i32
        %dma_start3A_30 = tpu.memref_slice %arg11[%dma_start3A_28, %dma_start3A_29] : memref<10000x128xf32, #tpu.memory_space<vmem_shared>> -> memref<10000x128xf32, #tpu.memory_space<vmem_shared>>
        tpu.enqueue_indirect_dma source(%arg9 : memref<125x128xf32, #tpu.memory_space<vmem>>) target(%dma_start3A_30 : memref<10000x128xf32, #tpu.memory_space<vmem_shared>>) offsets(%dma_start3A_27 : memref<125xi32, #tpu.memory_space<vmem>>) semaphore(%run_scoped3A : memref<!tpu.dma_semaphore, #tpu.memory_space<semaphore_mem>>) {add = true}
        %dma_wait3A_31 = arith.constant 0 : i32
        %dma_wait3A_32 = tpu.memref_slice %arg8[%scan3A_14, %dma_wait3A_31] : memref<80x125xi32, #tpu.memory_space<vmem>> -> memref<1x125xi32, #tpu.memory_space<vmem>>
        %dma_wait3A_33 = tpu.memref_squeeze %dma_wait3A_32 : memref<1x125xi32, #tpu.memory_space<vmem>> -> memref<125xi32, #tpu.memory_space<vmem>>
        %dma_wait3A_34 = arith.constant 0 : i32
        %dma_wait3A_35 = arith.constant 0 : i32
        %dma_wait3A_36 = tpu.memref_slice %arg11[%dma_wait3A_34, %dma_wait3A_35] : memref<10000x128xf32, #tpu.memory_space<vmem_shared>> -> memref<10000x128xf32, #tpu.memory_space<vmem_shared>>
        tpu.wait_indirect_dma semaphore(%run_scoped3A : memref<!tpu.dma_semaphore, #tpu.memory_space<semaphore_mem>>) src(%arg9 : memref<125x128xf32, #tpu.memory_space<vmem>>) dst(%dma_wait3A_36 : memref<10000x128xf32, #tpu.memory_space<vmem_shared>>)
        tpu.yield
      }) : () -> ()
    }
    %scan3A_7 = arith.constant 80 : i32
    %barrier3A_8 = arith.constant 0 : index
    tpu.barrier barrier_id(%barrier3A_8)
    %lt3A_9 = arith.constant 10 : i32
    %lt3A_10 = arith.cmpi slt, %arg1, %lt3A_9 : i32
    %convert_element_type3A_11 = arith.extui %lt3A_10 : i1 to i32
    %cond3A_12 = arith.constant 0 : i32
    %cond3A_13 = arith.cmpi ne, %convert_element_type3A_11, %cond3A_12 : i32
    scf.if %cond3A_13 {
      %scan3A_14 = arith.constant 0 : i32
      %scan3A_15 = arith.constant 0 : i32
      %scan3A_16 = arith.constant 25 : i32
      %scan3A_17 = arith.addi %scan3A_15, %scan3A_16 : i32
      %scan3A_18 = arith.constant 1 : i32
      scf.for %scan3A_20 = %scan3A_15 to %scan3A_17 step %scan3A_18  : i32 {
        %mul3A_21 = arith.constant 1000 : i32
        %mul3A_22 = arith.muli %arg1, %mul3A_21 : i32
        %mul3A_23 = arith.constant 40 : i32
        %mul3A_24 = arith.muli %scan3A_20, %mul3A_23 : i32
        %add3A_25 = arith.addi %mul3A_22, %mul3A_24 : i32
        "tpu.region"() ({
          %run_scoped3A = tpu.sem_alloc : memref<!tpu.dma_semaphore, #tpu.memory_space<semaphore_mem>>
          %dma_start3A = arith.constant 0 : i32
          %dma_start3A_31 = tpu.memref_slice %arg11[%add3A_25, %dma_start3A] : memref<10000x128xf32, #tpu.memory_space<vmem_shared>> -> memref<40x128xf32, #tpu.memory_space<vmem_shared>>
          %dma_start3A_32 = arith.constant 0 : i32
          %dma_start3A_33 = tpu.memref_slice %arg11[%add3A_25, %dma_start3A_32] : memref<10000x128xf32, #tpu.memory_space<vmem_shared>> -> memref<40x128xf32, #tpu.memory_space<vmem_shared>>
          tpu.enqueue_dma source(%dma_start3A_33 : memref<40x128xf32, #tpu.memory_space<vmem_shared>>) target(%arg10 : memref<40x128xf32, #tpu.memory_space<vmem>>) target_semaphore(%run_scoped3A : memref<!tpu.dma_semaphore, #tpu.memory_space<semaphore_mem>>)
          %dma_wait3A = arith.constant 0 : i32
          %dma_wait3A_34 = tpu.memref_slice %arg11[%add3A_25, %dma_wait3A] : memref<10000x128xf32, #tpu.memory_space<vmem_shared>> -> memref<40x128xf32, #tpu.memory_space<vmem_shared>>
          %dma_wait3A_35 = arith.constant 0 : i32
          %dma_wait3A_36 = tpu.memref_slice %arg11[%add3A_25, %dma_wait3A_35] : memref<10000x128xf32, #tpu.memory_space<vmem_shared>> -> memref<40x128xf32, #tpu.memory_space<vmem_shared>>
          tpu.wait_dma2 semaphore(%run_scoped3A : memref<!tpu.dma_semaphore, #tpu.memory_space<semaphore_mem>>) src(%dma_wait3A_36 : memref<40x128xf32, #tpu.memory_space<vmem_shared>>) dst(%arg10 : memref<40x128xf32, #tpu.memory_space<vmem>>)
          tpu.yield
        }) : () -> ()
        %mul3A_26 = arith.constant 1000 : i32
        %mul3A_27 = arith.muli %arg1, %mul3A_26 : i32
        %mul3A_28 = arith.constant 40 : i32
        %mul3A_29 = arith.muli %scan3A_20, %mul3A_28 : i32
        %add3A_30 = arith.addi %mul3A_27, %mul3A_29 : i32
        "tpu.region"() ({
          %run_scoped3A = tpu.sem_alloc : memref<!tpu.dma_semaphore, #tpu.memory_space<semaphore_mem>>
          %dma_start3A = arith.constant 0 : i32
          %dma_start3A_31 = tpu.memref_slice %arg6[%arg0, %add3A_30, %dma_start3A] : memref<2x10000x128xf32, #tpu.memory_space<hbm>> -> memref<1x40x128xf32, #tpu.memory_space<hbm>>
          %dma_start3A_32 = tpu.memref_squeeze %dma_start3A_31 : memref<1x40x128xf32, #tpu.memory_space<hbm>> -> memref<40x128xf32, #tpu.memory_space<hbm>>
          %dma_start3A_33 = arith.constant 0 : i32
          %dma_start3A_34 = tpu.memref_slice %arg6[%arg0, %add3A_30, %dma_start3A_33] : memref<2x10000x128xf32, #tpu.memory_space<hbm>> -> memref<1x40x128xf32, #tpu.memory_space<hbm>>
          %dma_start3A_35 = tpu.memref_squeeze %dma_start3A_34 : memref<1x40x128xf32, #tpu.memory_space<hbm>> -> memref<40x128xf32, #tpu.memory_space<hbm>>
          tpu.enqueue_dma source(%arg10 : memref<40x128xf32, #tpu.memory_space<vmem>>) target(%dma_start3A_35 : memref<40x128xf32, #tpu.memory_space<hbm>>) target_semaphore(%run_scoped3A : memref<!tpu.dma_semaphore, #tpu.memory_space<semaphore_mem>>)
          %dma_wait3A = arith.constant 0 : i32
          %dma_wait3A_36 = tpu.memref_slice %arg6[%arg0, %add3A_30, %dma_wait3A] : memref<2x10000x128xf32, #tpu.memory_space<hbm>> -> memref<1x40x128xf32, #tpu.memory_space<hbm>>
          %dma_wait3A_37 = tpu.memref_squeeze %dma_wait3A_36 : memref<1x40x128xf32, #tpu.memory_space<hbm>> -> memref<40x128xf32, #tpu.memory_space<hbm>>
          %dma_wait3A_38 = arith.constant 0 : i32
          %dma_wait3A_39 = tpu.memref_slice %arg6[%arg0, %add3A_30, %dma_wait3A_38] : memref<2x10000x128xf32, #tpu.memory_space<hbm>> -> memref<1x40x128xf32, #tpu.memory_space<hbm>>
          %dma_wait3A_40 = tpu.memref_squeeze %dma_wait3A_39 : memref<1x40x128xf32, #tpu.memory_space<hbm>> -> memref<40x128xf32, #tpu.memory_space<hbm>>
          tpu.wait_dma2 semaphore(%run_scoped3A : memref<!tpu.dma_semaphore, #tpu.memory_space<semaphore_mem>>) src(%arg10 : memref<40x128xf32, #tpu.memory_space<vmem>>) dst(%dma_wait3A_40 : memref<40x128xf32, #tpu.memory_space<hbm>>)
          tpu.yield
        }) : () -> ()
      }
      %scan3A_19 = arith.constant 25 : i32
    } else {
    }
    return
  }
}

#map = affine_map<(d0, d1) -> (0, 0, 0)>
#map1 = affine_map<(d0, d1) -> (0)>
module attributes {stable_mosaic.version = 14 : i64} {
  func.func @_deg_body(%arg0: i32, %arg1: i32, %arg2: memref<32x80x125xi32, #tpu.memory_space<hbm>>, %arg3: memref<125xf32, #tpu.memory_space<hbm>>, %arg4: memref<1000xf32, #tpu.memory_space<hbm>>, %arg5: memref<20000xf32, #tpu.memory_space<hbm>>, %arg6: memref<80x125xi32, #tpu.memory_space<vmem>>, %arg7: memref<125xf32, #tpu.memory_space<vmem>>, %arg8: memref<1000xf32, #tpu.memory_space<vmem>>, %arg9: memref<10000xf32, #tpu.memory_space<vmem_shared>>) attributes {dimension_semantics = [#tpu.dimension_semantics<core_parallel>, #tpu.dimension_semantics<subcore_parallel>], iteration_bounds = array<i64: 2, 16>, scalar_prefetch = 0 : i64, scratch_operands = 4 : i64, tpu.core_type = #tpu.core_type<sc_vector_subcore>, window_params = [{transform_indices = #map}, {transform_indices = #map1}, {transform_indices = #map1}, {transform_indices = #map1}]} {
    %mul3A = arith.constant 16 : i32
    %mul3A_0 = arith.muli %arg0, %mul3A : i32
    %add3A = arith.addi %mul3A_0, %arg1 : i32
    %lt3A = arith.constant 10 : i32
    %lt3A_1 = arith.cmpi slt, %arg1, %lt3A : i32
    %convert_element_type3A = arith.extui %lt3A_1 : i1 to i32
    %cond3A = arith.constant 0 : i32
    %cond3A_2 = arith.cmpi ne, %convert_element_type3A, %cond3A : i32
    scf.if %cond3A_2 {
      "tpu.region"() ({
        %run_scoped3A = tpu.sem_alloc : memref<!tpu.dma_semaphore, #tpu.memory_space<semaphore_mem>>
        tpu.enqueue_dma source(%arg4 : memref<1000xf32, #tpu.memory_space<hbm>>) target(%arg8 : memref<1000xf32, #tpu.memory_space<vmem>>) target_semaphore(%run_scoped3A : memref<!tpu.dma_semaphore, #tpu.memory_space<semaphore_mem>>)
        tpu.wait_dma2 semaphore(%run_scoped3A : memref<!tpu.dma_semaphore, #tpu.memory_space<semaphore_mem>>) src(%arg4 : memref<1000xf32, #tpu.memory_space<hbm>>) dst(%arg8 : memref<1000xf32, #tpu.memory_space<vmem>>)
        tpu.yield
      }) : () -> ()
      %mul3A_14 = arith.constant 1000 : i32
      %mul3A_15 = arith.muli %arg1, %mul3A_14 : i32
      "tpu.region"() ({
        %run_scoped3A = tpu.sem_alloc : memref<!tpu.dma_semaphore, #tpu.memory_space<semaphore_mem>>
        %dma_start3A = tpu.memref_slice %arg9[%mul3A_15] : memref<10000xf32, #tpu.memory_space<vmem_shared>> -> memref<1000xf32, #tpu.memory_space<vmem_shared>>
        %dma_start3A_16 = tpu.memref_slice %arg9[%mul3A_15] : memref<10000xf32, #tpu.memory_space<vmem_shared>> -> memref<1000xf32, #tpu.memory_space<vmem_shared>>
        tpu.enqueue_dma source(%arg8 : memref<1000xf32, #tpu.memory_space<vmem>>) target(%dma_start3A_16 : memref<1000xf32, #tpu.memory_space<vmem_shared>>) target_semaphore(%run_scoped3A : memref<!tpu.dma_semaphore, #tpu.memory_space<semaphore_mem>>)
        %dma_wait3A = tpu.memref_slice %arg9[%mul3A_15] : memref<10000xf32, #tpu.memory_space<vmem_shared>> -> memref<1000xf32, #tpu.memory_space<vmem_shared>>
        %dma_wait3A_17 = tpu.memref_slice %arg9[%mul3A_15] : memref<10000xf32, #tpu.memory_space<vmem_shared>> -> memref<1000xf32, #tpu.memory_space<vmem_shared>>
        tpu.wait_dma2 semaphore(%run_scoped3A : memref<!tpu.dma_semaphore, #tpu.memory_space<semaphore_mem>>) src(%arg8 : memref<1000xf32, #tpu.memory_space<vmem>>) dst(%dma_wait3A_17 : memref<1000xf32, #tpu.memory_space<vmem_shared>>)
        tpu.yield
      }) : () -> ()
    } else {
    }
    "tpu.region"() ({
      %run_scoped3A = tpu.sem_alloc : memref<!tpu.dma_semaphore, #tpu.memory_space<semaphore_mem>>
      %dma_start3A = arith.constant 0 : i32
      %dma_start3A_14 = arith.constant 0 : i32
      %dma_start3A_15 = tpu.memref_slice %arg2[%add3A, %dma_start3A, %dma_start3A_14] : memref<32x80x125xi32, #tpu.memory_space<hbm>> -> memref<1x80x125xi32, #tpu.memory_space<hbm>>
      %dma_start3A_16 = tpu.memref_squeeze %dma_start3A_15 : memref<1x80x125xi32, #tpu.memory_space<hbm>> -> memref<80x125xi32, #tpu.memory_space<hbm>>
      %dma_start3A_17 = arith.constant 0 : i32
      %dma_start3A_18 = arith.constant 0 : i32
      %dma_start3A_19 = tpu.memref_slice %arg2[%add3A, %dma_start3A_17, %dma_start3A_18] : memref<32x80x125xi32, #tpu.memory_space<hbm>> -> memref<1x80x125xi32, #tpu.memory_space<hbm>>
      %dma_start3A_20 = tpu.memref_squeeze %dma_start3A_19 : memref<1x80x125xi32, #tpu.memory_space<hbm>> -> memref<80x125xi32, #tpu.memory_space<hbm>>
      tpu.enqueue_dma source(%dma_start3A_20 : memref<80x125xi32, #tpu.memory_space<hbm>>) target(%arg6 : memref<80x125xi32, #tpu.memory_space<vmem>>) target_semaphore(%run_scoped3A : memref<!tpu.dma_semaphore, #tpu.memory_space<semaphore_mem>>)
      %dma_wait3A = arith.constant 0 : i32
      %dma_wait3A_21 = arith.constant 0 : i32
      %dma_wait3A_22 = tpu.memref_slice %arg2[%add3A, %dma_wait3A, %dma_wait3A_21] : memref<32x80x125xi32, #tpu.memory_space<hbm>> -> memref<1x80x125xi32, #tpu.memory_space<hbm>>
      %dma_wait3A_23 = tpu.memref_squeeze %dma_wait3A_22 : memref<1x80x125xi32, #tpu.memory_space<hbm>> -> memref<80x125xi32, #tpu.memory_space<hbm>>
      %dma_wait3A_24 = arith.constant 0 : i32
      %dma_wait3A_25 = arith.constant 0 : i32
      %dma_wait3A_26 = tpu.memref_slice %arg2[%add3A, %dma_wait3A_24, %dma_wait3A_25] : memref<32x80x125xi32, #tpu.memory_space<hbm>> -> memref<1x80x125xi32, #tpu.memory_space<hbm>>
      %dma_wait3A_27 = tpu.memref_squeeze %dma_wait3A_26 : memref<1x80x125xi32, #tpu.memory_space<hbm>> -> memref<80x125xi32, #tpu.memory_space<hbm>>
      tpu.wait_dma2 semaphore(%run_scoped3A : memref<!tpu.dma_semaphore, #tpu.memory_space<semaphore_mem>>) src(%dma_wait3A_27 : memref<80x125xi32, #tpu.memory_space<hbm>>) dst(%arg6 : memref<80x125xi32, #tpu.memory_space<vmem>>)
      tpu.yield
    }) : () -> ()
    "tpu.region"() ({
      %run_scoped3A = tpu.sem_alloc : memref<!tpu.dma_semaphore, #tpu.memory_space<semaphore_mem>>
      tpu.enqueue_dma source(%arg3 : memref<125xf32, #tpu.memory_space<hbm>>) target(%arg7 : memref<125xf32, #tpu.memory_space<vmem>>) target_semaphore(%run_scoped3A : memref<!tpu.dma_semaphore, #tpu.memory_space<semaphore_mem>>)
      tpu.wait_dma2 semaphore(%run_scoped3A : memref<!tpu.dma_semaphore, #tpu.memory_space<semaphore_mem>>) src(%arg3 : memref<125xf32, #tpu.memory_space<hbm>>) dst(%arg7 : memref<125xf32, #tpu.memory_space<vmem>>)
      tpu.yield
    }) : () -> ()
    %barrier3A = arith.constant 0 : index
    tpu.barrier barrier_id(%barrier3A)
    %scan3A = arith.constant 0 : i32
    %scan3A_3 = arith.constant 0 : i32
    %scan3A_4 = arith.constant 80 : i32
    %scan3A_5 = arith.addi %scan3A_3, %scan3A_4 : i32
    %scan3A_6 = arith.constant 1 : i32
    scf.for %scan3A_14 = %scan3A_3 to %scan3A_5 step %scan3A_6  : i32 {
      "tpu.region"() ({
        %run_scoped3A = tpu.sem_alloc : memref<!tpu.dma_semaphore, #tpu.memory_space<semaphore_mem>>
        %dma_start3A = arith.constant 0 : i32
        %dma_start3A_15 = tpu.memref_slice %arg6[%scan3A_14, %dma_start3A] : memref<80x125xi32, #tpu.memory_space<vmem>> -> memref<1x125xi32, #tpu.memory_space<vmem>>
        %dma_start3A_16 = tpu.memref_squeeze %dma_start3A_15 : memref<1x125xi32, #tpu.memory_space<vmem>> -> memref<125xi32, #tpu.memory_space<vmem>>
        %dma_start3A_17 = arith.constant 0 : i32
        %dma_start3A_18 = tpu.memref_slice %arg9[%dma_start3A_17] : memref<10000xf32, #tpu.memory_space<vmem_shared>> -> memref<10000xf32, #tpu.memory_space<vmem_shared>>
        tpu.enqueue_indirect_dma source(%arg7 : memref<125xf32, #tpu.memory_space<vmem>>) target(%dma_start3A_18 : memref<10000xf32, #tpu.memory_space<vmem_shared>>) offsets(%dma_start3A_16 : memref<125xi32, #tpu.memory_space<vmem>>) semaphore(%run_scoped3A : memref<!tpu.dma_semaphore, #tpu.memory_space<semaphore_mem>>) {add = true}
        %dma_wait3A = arith.constant 0 : i32
        %dma_wait3A_19 = tpu.memref_slice %arg6[%scan3A_14, %dma_wait3A] : memref<80x125xi32, #tpu.memory_space<vmem>> -> memref<1x125xi32, #tpu.memory_space<vmem>>
        %dma_wait3A_20 = tpu.memref_squeeze %dma_wait3A_19 : memref<1x125xi32, #tpu.memory_space<vmem>> -> memref<125xi32, #tpu.memory_space<vmem>>
        %dma_wait3A_21 = arith.constant 0 : i32
        %dma_wait3A_22 = tpu.memref_slice %arg9[%dma_wait3A_21] : memref<10000xf32, #tpu.memory_space<vmem_shared>> -> memref<10000xf32, #tpu.memory_space<vmem_shared>>
        tpu.wait_indirect_dma semaphore(%run_scoped3A : memref<!tpu.dma_semaphore, #tpu.memory_space<semaphore_mem>>) src(%arg7 : memref<125xf32, #tpu.memory_space<vmem>>) dst(%dma_wait3A_22 : memref<10000xf32, #tpu.memory_space<vmem_shared>>)
        tpu.yield
      }) : () -> ()
    }
    %scan3A_7 = arith.constant 80 : i32
    %barrier3A_8 = arith.constant 0 : index
    tpu.barrier barrier_id(%barrier3A_8)
    %lt3A_9 = arith.constant 10 : i32
    %lt3A_10 = arith.cmpi slt, %arg1, %lt3A_9 : i32
    %convert_element_type3A_11 = arith.extui %lt3A_10 : i1 to i32
    %cond3A_12 = arith.constant 0 : i32
    %cond3A_13 = arith.cmpi ne, %convert_element_type3A_11, %cond3A_12 : i32
    scf.if %cond3A_13 {
      %mul3A_14 = arith.constant 1000 : i32
      %mul3A_15 = arith.muli %arg1, %mul3A_14 : i32
      "tpu.region"() ({
        %run_scoped3A = tpu.sem_alloc : memref<!tpu.dma_semaphore, #tpu.memory_space<semaphore_mem>>
        %dma_start3A = tpu.memref_slice %arg9[%mul3A_15] : memref<10000xf32, #tpu.memory_space<vmem_shared>> -> memref<1000xf32, #tpu.memory_space<vmem_shared>>
        %dma_start3A_21 = tpu.memref_slice %arg9[%mul3A_15] : memref<10000xf32, #tpu.memory_space<vmem_shared>> -> memref<1000xf32, #tpu.memory_space<vmem_shared>>
        tpu.enqueue_dma source(%dma_start3A_21 : memref<1000xf32, #tpu.memory_space<vmem_shared>>) target(%arg8 : memref<1000xf32, #tpu.memory_space<vmem>>) target_semaphore(%run_scoped3A : memref<!tpu.dma_semaphore, #tpu.memory_space<semaphore_mem>>)
        %dma_wait3A = tpu.memref_slice %arg9[%mul3A_15] : memref<10000xf32, #tpu.memory_space<vmem_shared>> -> memref<1000xf32, #tpu.memory_space<vmem_shared>>
        %dma_wait3A_22 = tpu.memref_slice %arg9[%mul3A_15] : memref<10000xf32, #tpu.memory_space<vmem_shared>> -> memref<1000xf32, #tpu.memory_space<vmem_shared>>
        tpu.wait_dma2 semaphore(%run_scoped3A : memref<!tpu.dma_semaphore, #tpu.memory_space<semaphore_mem>>) src(%dma_wait3A_22 : memref<1000xf32, #tpu.memory_space<vmem_shared>>) dst(%arg8 : memref<1000xf32, #tpu.memory_space<vmem>>)
        tpu.yield
      }) : () -> ()
      %mul3A_16 = arith.constant 10000 : i32
      %mul3A_17 = arith.muli %arg0, %mul3A_16 : i32
      %mul3A_18 = arith.constant 1000 : i32
      %mul3A_19 = arith.muli %arg1, %mul3A_18 : i32
      %add3A_20 = arith.addi %mul3A_17, %mul3A_19 : i32
      "tpu.region"() ({
        %run_scoped3A = tpu.sem_alloc : memref<!tpu.dma_semaphore, #tpu.memory_space<semaphore_mem>>
        %dma_start3A = tpu.memref_slice %arg5[%add3A_20] : memref<20000xf32, #tpu.memory_space<hbm>> -> memref<1000xf32, #tpu.memory_space<hbm>>
        %dma_start3A_21 = tpu.memref_slice %arg5[%add3A_20] : memref<20000xf32, #tpu.memory_space<hbm>> -> memref<1000xf32, #tpu.memory_space<hbm>>
        tpu.enqueue_dma source(%arg8 : memref<1000xf32, #tpu.memory_space<vmem>>) target(%dma_start3A_21 : memref<1000xf32, #tpu.memory_space<hbm>>) target_semaphore(%run_scoped3A : memref<!tpu.dma_semaphore, #tpu.memory_space<semaphore_mem>>)
        %dma_wait3A = tpu.memref_slice %arg5[%add3A_20] : memref<20000xf32, #tpu.memory_space<hbm>> -> memref<1000xf32, #tpu.memory_space<hbm>>
        %dma_wait3A_22 = tpu.memref_slice %arg5[%add3A_20] : memref<20000xf32, #tpu.memory_space<hbm>> -> memref<1000xf32, #tpu.memory_space<hbm>>
        tpu.wait_dma2 semaphore(%run_scoped3A : memref<!tpu.dma_semaphore, #tpu.memory_space<semaphore_mem>>) src(%arg8 : memref<1000xf32, #tpu.memory_space<vmem>>) dst(%dma_wait3A_22 : memref<1000xf32, #tpu.memory_space<hbm>>)
        tpu.yield
      }) : () -> ()
    } else {
    }
    return
  }
}

#map = affine_map<(d0, d1) -> (0, 0)>
#map1 = affine_map<(d0, d1) -> (0, 0, 0)>
module attributes {stable_mosaic.version = 14 : i64} {
  func.func @_edge_body(%arg0: i32, %arg1: i32, %arg2: memref<10000x128xf32, #tpu.memory_space<hbm>>, %arg3: memref<32x80x125xi32, #tpu.memory_space<hbm>>, %arg4: memref<32x80x125xi32, #tpu.memory_space<hbm>>, %arg5: memref<40x128xf32, #tpu.memory_space<hbm>>, %arg6: memref<2x10000x128xf32, #tpu.memory_space<hbm>>, %arg7: memref<80x125xi32, #tpu.memory_space<vmem>>, %arg8: memref<80x125xi32, #tpu.memory_space<vmem>>, %arg9: memref<125x128xf32, #tpu.memory_space<vmem>>, %arg10: memref<40x128xf32, #tpu.memory_space<vmem>>, %arg11: memref<10000x128xf32, #tpu.memory_space<vmem_shared>>, %arg12: memref<!tpu.dma_semaphore, #tpu.memory_space<semaphore_mem>>) attributes {dimension_semantics = [#tpu.dimension_semantics<core_parallel>, #tpu.dimension_semantics<subcore_parallel>], iteration_bounds = array<i64: 2, 16>, scalar_prefetch = 0 : i64, scratch_operands = 6 : i64, tpu.core_type = #tpu.core_type<sc_vector_subcore>, window_params = [{transform_indices = #map}, {transform_indices = #map1}, {transform_indices = #map1}, {transform_indices = #map}, {transform_indices = #map1}]} {
    %mul3A = arith.constant 16 : i32
    %mul3A_0 = arith.muli %arg0, %mul3A : i32
    %add3A = arith.addi %mul3A_0, %arg1 : i32
    %lt3A = arith.constant 10 : i32
    %lt3A_1 = arith.cmpi slt, %arg1, %lt3A : i32
    %convert_element_type3A = arith.extui %lt3A_1 : i1 to i32
    %cond3A = arith.constant 0 : i32
    %cond3A_2 = arith.cmpi ne, %convert_element_type3A, %cond3A : i32
    scf.if %cond3A_2 {
      "tpu.region"() ({
        %run_scoped3A = tpu.sem_alloc : memref<!tpu.dma_semaphore, #tpu.memory_space<semaphore_mem>>
        tpu.enqueue_dma source(%arg5 : memref<40x128xf32, #tpu.memory_space<hbm>>) target(%arg10 : memref<40x128xf32, #tpu.memory_space<vmem>>) target_semaphore(%run_scoped3A : memref<!tpu.dma_semaphore, #tpu.memory_space<semaphore_mem>>)
        tpu.wait_dma2 semaphore(%run_scoped3A : memref<!tpu.dma_semaphore, #tpu.memory_space<semaphore_mem>>) src(%arg5 : memref<40x128xf32, #tpu.memory_space<hbm>>) dst(%arg10 : memref<40x128xf32, #tpu.memory_space<vmem>>)
        tpu.yield
      }) : () -> ()
      %scan3A_14 = arith.constant 0 : i32
      %scan3A_15 = arith.constant 0 : i32
      %scan3A_16 = arith.constant 25 : i32
      %scan3A_17 = arith.addi %scan3A_15, %scan3A_16 : i32
      %scan3A_18 = arith.constant 1 : i32
      scf.for %scan3A_20 = %scan3A_15 to %scan3A_17 step %scan3A_18  : i32 {
        %mul3A_21 = arith.constant 1000 : i32
        %mul3A_22 = arith.muli %arg1, %mul3A_21 : i32
        %mul3A_23 = arith.constant 40 : i32
        %mul3A_24 = arith.muli %scan3A_20, %mul3A_23 : i32
        %add3A_25 = arith.addi %mul3A_22, %mul3A_24 : i32
        "tpu.region"() ({
          %run_scoped3A = tpu.sem_alloc : memref<!tpu.dma_semaphore, #tpu.memory_space<semaphore_mem>>
          %dma_start3A = arith.constant 0 : i32
          %dma_start3A_26 = tpu.memref_slice %arg11[%add3A_25, %dma_start3A] : memref<10000x128xf32, #tpu.memory_space<vmem_shared>> -> memref<40x128xf32, #tpu.memory_space<vmem_shared>>
          %dma_start3A_27 = arith.constant 0 : i32
          %dma_start3A_28 = tpu.memref_slice %arg11[%add3A_25, %dma_start3A_27] : memref<10000x128xf32, #tpu.memory_space<vmem_shared>> -> memref<40x128xf32, #tpu.memory_space<vmem_shared>>
          tpu.enqueue_dma source(%arg10 : memref<40x128xf32, #tpu.memory_space<vmem>>) target(%dma_start3A_28 : memref<40x128xf32, #tpu.memory_space<vmem_shared>>) target_semaphore(%run_scoped3A : memref<!tpu.dma_semaphore, #tpu.memory_space<semaphore_mem>>)
          %dma_wait3A = arith.constant 0 : i32
          %dma_wait3A_29 = tpu.memref_slice %arg11[%add3A_25, %dma_wait3A] : memref<10000x128xf32, #tpu.memory_space<vmem_shared>> -> memref<40x128xf32, #tpu.memory_space<vmem_shared>>
          %dma_wait3A_30 = arith.constant 0 : i32
          %dma_wait3A_31 = tpu.memref_slice %arg11[%add3A_25, %dma_wait3A_30] : memref<10000x128xf32, #tpu.memory_space<vmem_shared>> -> memref<40x128xf32, #tpu.memory_space<vmem_shared>>
          tpu.wait_dma2 semaphore(%run_scoped3A : memref<!tpu.dma_semaphore, #tpu.memory_space<semaphore_mem>>) src(%arg10 : memref<40x128xf32, #tpu.memory_space<vmem>>) dst(%dma_wait3A_31 : memref<40x128xf32, #tpu.memory_space<vmem_shared>>)
          tpu.yield
        }) : () -> ()
      }
      %scan3A_19 = arith.constant 25 : i32
    } else {
    }
    "tpu.region"() ({
      %run_scoped3A = tpu.sem_alloc : memref<!tpu.dma_semaphore, #tpu.memory_space<semaphore_mem>>
      %dma_start3A = arith.constant 0 : i32
      %dma_start3A_14 = arith.constant 0 : i32
      %dma_start3A_15 = tpu.memref_slice %arg3[%add3A, %dma_start3A, %dma_start3A_14] : memref<32x80x125xi32, #tpu.memory_space<hbm>> -> memref<1x80x125xi32, #tpu.memory_space<hbm>>
      %dma_start3A_16 = tpu.memref_squeeze %dma_start3A_15 : memref<1x80x125xi32, #tpu.memory_space<hbm>> -> memref<80x125xi32, #tpu.memory_space<hbm>>
      %dma_start3A_17 = arith.constant 0 : i32
      %dma_start3A_18 = arith.constant 0 : i32
      %dma_start3A_19 = tpu.memref_slice %arg3[%add3A, %dma_start3A_17, %dma_start3A_18] : memref<32x80x125xi32, #tpu.memory_space<hbm>> -> memref<1x80x125xi32, #tpu.memory_space<hbm>>
      %dma_start3A_20 = tpu.memref_squeeze %dma_start3A_19 : memref<1x80x125xi32, #tpu.memory_space<hbm>> -> memref<80x125xi32, #tpu.memory_space<hbm>>
      tpu.enqueue_dma source(%dma_start3A_20 : memref<80x125xi32, #tpu.memory_space<hbm>>) target(%arg7 : memref<80x125xi32, #tpu.memory_space<vmem>>) target_semaphore(%run_scoped3A : memref<!tpu.dma_semaphore, #tpu.memory_space<semaphore_mem>>)
      %dma_wait3A = arith.constant 0 : i32
      %dma_wait3A_21 = arith.constant 0 : i32
      %dma_wait3A_22 = tpu.memref_slice %arg3[%add3A, %dma_wait3A, %dma_wait3A_21] : memref<32x80x125xi32, #tpu.memory_space<hbm>> -> memref<1x80x125xi32, #tpu.memory_space<hbm>>
      %dma_wait3A_23 = tpu.memref_squeeze %dma_wait3A_22 : memref<1x80x125xi32, #tpu.memory_space<hbm>> -> memref<80x125xi32, #tpu.memory_space<hbm>>
      %dma_wait3A_24 = arith.constant 0 : i32
      %dma_wait3A_25 = arith.constant 0 : i32
      %dma_wait3A_26 = tpu.memref_slice %arg3[%add3A, %dma_wait3A_24, %dma_wait3A_25] : memref<32x80x125xi32, #tpu.memory_space<hbm>> -> memref<1x80x125xi32, #tpu.memory_space<hbm>>
      %dma_wait3A_27 = tpu.memref_squeeze %dma_wait3A_26 : memref<1x80x125xi32, #tpu.memory_space<hbm>> -> memref<80x125xi32, #tpu.memory_space<hbm>>
      tpu.wait_dma2 semaphore(%run_scoped3A : memref<!tpu.dma_semaphore, #tpu.memory_space<semaphore_mem>>) src(%dma_wait3A_27 : memref<80x125xi32, #tpu.memory_space<hbm>>) dst(%arg7 : memref<80x125xi32, #tpu.memory_space<vmem>>)
      tpu.yield
    }) : () -> ()
    "tpu.region"() ({
      %run_scoped3A = tpu.sem_alloc : memref<!tpu.dma_semaphore, #tpu.memory_space<semaphore_mem>>
      %dma_start3A = arith.constant 0 : i32
      %dma_start3A_14 = arith.constant 0 : i32
      %dma_start3A_15 = tpu.memref_slice %arg4[%add3A, %dma_start3A, %dma_start3A_14] : memref<32x80x125xi32, #tpu.memory_space<hbm>> -> memref<1x80x125xi32, #tpu.memory_space<hbm>>
      %dma_start3A_16 = tpu.memref_squeeze %dma_start3A_15 : memref<1x80x125xi32, #tpu.memory_space<hbm>> -> memref<80x125xi32, #tpu.memory_space<hbm>>
      %dma_start3A_17 = arith.constant 0 : i32
      %dma_start3A_18 = arith.constant 0 : i32
      %dma_start3A_19 = tpu.memref_slice %arg4[%add3A, %dma_start3A_17, %dma_start3A_18] : memref<32x80x125xi32, #tpu.memory_space<hbm>> -> memref<1x80x125xi32, #tpu.memory_space<hbm>>
      %dma_start3A_20 = tpu.memref_squeeze %dma_start3A_19 : memref<1x80x125xi32, #tpu.memory_space<hbm>> -> memref<80x125xi32, #tpu.memory_space<hbm>>
      tpu.enqueue_dma source(%dma_start3A_20 : memref<80x125xi32, #tpu.memory_space<hbm>>) target(%arg8 : memref<80x125xi32, #tpu.memory_space<vmem>>) target_semaphore(%run_scoped3A : memref<!tpu.dma_semaphore, #tpu.memory_space<semaphore_mem>>)
      %dma_wait3A = arith.constant 0 : i32
      %dma_wait3A_21 = arith.constant 0 : i32
      %dma_wait3A_22 = tpu.memref_slice %arg4[%add3A, %dma_wait3A, %dma_wait3A_21] : memref<32x80x125xi32, #tpu.memory_space<hbm>> -> memref<1x80x125xi32, #tpu.memory_space<hbm>>
      %dma_wait3A_23 = tpu.memref_squeeze %dma_wait3A_22 : memref<1x80x125xi32, #tpu.memory_space<hbm>> -> memref<80x125xi32, #tpu.memory_space<hbm>>
      %dma_wait3A_24 = arith.constant 0 : i32
      %dma_wait3A_25 = arith.constant 0 : i32
      %dma_wait3A_26 = tpu.memref_slice %arg4[%add3A, %dma_wait3A_24, %dma_wait3A_25] : memref<32x80x125xi32, #tpu.memory_space<hbm>> -> memref<1x80x125xi32, #tpu.memory_space<hbm>>
      %dma_wait3A_27 = tpu.memref_squeeze %dma_wait3A_26 : memref<1x80x125xi32, #tpu.memory_space<hbm>> -> memref<80x125xi32, #tpu.memory_space<hbm>>
      tpu.wait_dma2 semaphore(%run_scoped3A : memref<!tpu.dma_semaphore, #tpu.memory_space<semaphore_mem>>) src(%dma_wait3A_27 : memref<80x125xi32, #tpu.memory_space<hbm>>) dst(%arg8 : memref<80x125xi32, #tpu.memory_space<vmem>>)
      tpu.yield
    }) : () -> ()
    %barrier3A = arith.constant 0 : index
    tpu.barrier barrier_id(%barrier3A)
    %scan3A = arith.constant 0 : i32
    %scan3A_3 = arith.constant 0 : i32
    %scan3A_4 = arith.constant 80 : i32
    %scan3A_5 = arith.addi %scan3A_3, %scan3A_4 : i32
    %scan3A_6 = arith.constant 1 : i32
    scf.for %scan3A_14 = %scan3A_3 to %scan3A_5 step %scan3A_6  : i32 {
      %dma_start3A = arith.constant 0 : i32
      %dma_start3A_15 = tpu.memref_slice %arg7[%scan3A_14, %dma_start3A] : memref<80x125xi32, #tpu.memory_space<vmem>> -> memref<1x125xi32, #tpu.memory_space<vmem>>
      %dma_start3A_16 = tpu.memref_squeeze %dma_start3A_15 : memref<1x125xi32, #tpu.memory_space<vmem>> -> memref<125xi32, #tpu.memory_space<vmem>>
      %dma_start3A_17 = arith.constant 0 : i32
      %dma_start3A_18 = arith.constant 0 : i32
      %dma_start3A_19 = tpu.memref_slice %arg2[%dma_start3A_17, %dma_start3A_18] : memref<10000x128xf32, #tpu.memory_space<hbm>> -> memref<10000x128xf32, #tpu.memory_space<hbm>>
      tpu.enqueue_indirect_dma source(%dma_start3A_19 : memref<10000x128xf32, #tpu.memory_space<hbm>>) target(%arg9 : memref<125x128xf32, #tpu.memory_space<vmem>>) offsets(%dma_start3A_16 : memref<125xi32, #tpu.memory_space<vmem>>) semaphore(%arg12 : memref<!tpu.dma_semaphore, #tpu.memory_space<semaphore_mem>>)
      %dma_wait3A = arith.constant 0 : i32
      %dma_wait3A_20 = tpu.memref_slice %arg7[%scan3A_14, %dma_wait3A] : memref<80x125xi32, #tpu.memory_space<vmem>> -> memref<1x125xi32, #tpu.memory_space<vmem>>
      %dma_wait3A_21 = tpu.memref_squeeze %dma_wait3A_20 : memref<1x125xi32, #tpu.memory_space<vmem>> -> memref<125xi32, #tpu.memory_space<vmem>>
      %dma_wait3A_22 = arith.constant 0 : i32
      %dma_wait3A_23 = arith.constant 0 : i32
      %dma_wait3A_24 = tpu.memref_slice %arg2[%dma_wait3A_22, %dma_wait3A_23] : memref<10000x128xf32, #tpu.memory_space<hbm>> -> memref<10000x128xf32, #tpu.memory_space<hbm>>
      tpu.wait_indirect_dma semaphore(%arg12 : memref<!tpu.dma_semaphore, #tpu.memory_space<semaphore_mem>>) src(%dma_wait3A_24 : memref<10000x128xf32, #tpu.memory_space<hbm>>) dst(%arg9 : memref<125x128xf32, #tpu.memory_space<vmem>>)
      "tpu.region"() ({
        %run_scoped3A = tpu.sem_alloc : memref<!tpu.dma_semaphore, #tpu.memory_space<semaphore_mem>>
        %dma_start3A_25 = arith.constant 0 : i32
        %dma_start3A_26 = tpu.memref_slice %arg8[%scan3A_14, %dma_start3A_25] : memref<80x125xi32, #tpu.memory_space<vmem>> -> memref<1x125xi32, #tpu.memory_space<vmem>>
        %dma_start3A_27 = tpu.memref_squeeze %dma_start3A_26 : memref<1x125xi32, #tpu.memory_space<vmem>> -> memref<125xi32, #tpu.memory_space<vmem>>
        %dma_start3A_28 = arith.constant 0 : i32
        %dma_start3A_29 = arith.constant 0 : i32
        %dma_start3A_30 = tpu.memref_slice %arg11[%dma_start3A_28, %dma_start3A_29] : memref<10000x128xf32, #tpu.memory_space<vmem_shared>> -> memref<10000x128xf32, #tpu.memory_space<vmem_shared>>
        tpu.enqueue_indirect_dma source(%arg9 : memref<125x128xf32, #tpu.memory_space<vmem>>) target(%dma_start3A_30 : memref<10000x128xf32, #tpu.memory_space<vmem_shared>>) offsets(%dma_start3A_27 : memref<125xi32, #tpu.memory_space<vmem>>) semaphore(%run_scoped3A : memref<!tpu.dma_semaphore, #tpu.memory_space<semaphore_mem>>) {add = true}
        %dma_wait3A_31 = arith.constant 0 : i32
        %dma_wait3A_32 = tpu.memref_slice %arg8[%scan3A_14, %dma_wait3A_31] : memref<80x125xi32, #tpu.memory_space<vmem>> -> memref<1x125xi32, #tpu.memory_space<vmem>>
        %dma_wait3A_33 = tpu.memref_squeeze %dma_wait3A_32 : memref<1x125xi32, #tpu.memory_space<vmem>> -> memref<125xi32, #tpu.memory_space<vmem>>
        %dma_wait3A_34 = arith.constant 0 : i32
        %dma_wait3A_35 = arith.constant 0 : i32
        %dma_wait3A_36 = tpu.memref_slice %arg11[%dma_wait3A_34, %dma_wait3A_35] : memref<10000x128xf32, #tpu.memory_space<vmem_shared>> -> memref<10000x128xf32, #tpu.memory_space<vmem_shared>>
        tpu.wait_indirect_dma semaphore(%run_scoped3A : memref<!tpu.dma_semaphore, #tpu.memory_space<semaphore_mem>>) src(%arg9 : memref<125x128xf32, #tpu.memory_space<vmem>>) dst(%dma_wait3A_36 : memref<10000x128xf32, #tpu.memory_space<vmem_shared>>)
        tpu.yield
      }) : () -> ()
    }
    %scan3A_7 = arith.constant 80 : i32
    %barrier3A_8 = arith.constant 0 : index
    tpu.barrier barrier_id(%barrier3A_8)
    %lt3A_9 = arith.constant 10 : i32
    %lt3A_10 = arith.cmpi slt, %arg1, %lt3A_9 : i32
    %convert_element_type3A_11 = arith.extui %lt3A_10 : i1 to i32
    %cond3A_12 = arith.constant 0 : i32
    %cond3A_13 = arith.cmpi ne, %convert_element_type3A_11, %cond3A_12 : i32
    scf.if %cond3A_13 {
      %scan3A_14 = arith.constant 0 : i32
      %scan3A_15 = arith.constant 0 : i32
      %scan3A_16 = arith.constant 25 : i32
      %scan3A_17 = arith.addi %scan3A_15, %scan3A_16 : i32
      %scan3A_18 = arith.constant 1 : i32
      scf.for %scan3A_20 = %scan3A_15 to %scan3A_17 step %scan3A_18  : i32 {
        %mul3A_21 = arith.constant 1000 : i32
        %mul3A_22 = arith.muli %arg1, %mul3A_21 : i32
        %mul3A_23 = arith.constant 40 : i32
        %mul3A_24 = arith.muli %scan3A_20, %mul3A_23 : i32
        %add3A_25 = arith.addi %mul3A_22, %mul3A_24 : i32
        "tpu.region"() ({
          %run_scoped3A = tpu.sem_alloc : memref<!tpu.dma_semaphore, #tpu.memory_space<semaphore_mem>>
          %dma_start3A = arith.constant 0 : i32
          %dma_start3A_31 = tpu.memref_slice %arg11[%add3A_25, %dma_start3A] : memref<10000x128xf32, #tpu.memory_space<vmem_shared>> -> memref<40x128xf32, #tpu.memory_space<vmem_shared>>
          %dma_start3A_32 = arith.constant 0 : i32
          %dma_start3A_33 = tpu.memref_slice %arg11[%add3A_25, %dma_start3A_32] : memref<10000x128xf32, #tpu.memory_space<vmem_shared>> -> memref<40x128xf32, #tpu.memory_space<vmem_shared>>
          tpu.enqueue_dma source(%dma_start3A_33 : memref<40x128xf32, #tpu.memory_space<vmem_shared>>) target(%arg10 : memref<40x128xf32, #tpu.memory_space<vmem>>) target_semaphore(%run_scoped3A : memref<!tpu.dma_semaphore, #tpu.memory_space<semaphore_mem>>)
          %dma_wait3A = arith.constant 0 : i32
          %dma_wait3A_34 = tpu.memref_slice %arg11[%add3A_25, %dma_wait3A] : memref<10000x128xf32, #tpu.memory_space<vmem_shared>> -> memref<40x128xf32, #tpu.memory_space<vmem_shared>>
          %dma_wait3A_35 = arith.constant 0 : i32
          %dma_wait3A_36 = tpu.memref_slice %arg11[%add3A_25, %dma_wait3A_35] : memref<10000x128xf32, #tpu.memory_space<vmem_shared>> -> memref<40x128xf32, #tpu.memory_space<vmem_shared>>
          tpu.wait_dma2 semaphore(%run_scoped3A : memref<!tpu.dma_semaphore, #tpu.memory_space<semaphore_mem>>) src(%dma_wait3A_36 : memref<40x128xf32, #tpu.memory_space<vmem_shared>>) dst(%arg10 : memref<40x128xf32, #tpu.memory_space<vmem>>)
          tpu.yield
        }) : () -> ()
        %mul3A_26 = arith.constant 1000 : i32
        %mul3A_27 = arith.muli %arg1, %mul3A_26 : i32
        %mul3A_28 = arith.constant 40 : i32
        %mul3A_29 = arith.muli %scan3A_20, %mul3A_28 : i32
        %add3A_30 = arith.addi %mul3A_27, %mul3A_29 : i32
        "tpu.region"() ({
          %run_scoped3A = tpu.sem_alloc : memref<!tpu.dma_semaphore, #tpu.memory_space<semaphore_mem>>
          %dma_start3A = arith.constant 0 : i32
          %dma_start3A_31 = tpu.memref_slice %arg6[%arg0, %add3A_30, %dma_start3A] : memref<2x10000x128xf32, #tpu.memory_space<hbm>> -> memref<1x40x128xf32, #tpu.memory_space<hbm>>
          %dma_start3A_32 = tpu.memref_squeeze %dma_start3A_31 : memref<1x40x128xf32, #tpu.memory_space<hbm>> -> memref<40x128xf32, #tpu.memory_space<hbm>>
          %dma_start3A_33 = arith.constant 0 : i32
          %dma_start3A_34 = tpu.memref_slice %arg6[%arg0, %add3A_30, %dma_start3A_33] : memref<2x10000x128xf32, #tpu.memory_space<hbm>> -> memref<1x40x128xf32, #tpu.memory_space<hbm>>
          %dma_start3A_35 = tpu.memref_squeeze %dma_start3A_34 : memref<1x40x128xf32, #tpu.memory_space<hbm>> -> memref<40x128xf32, #tpu.memory_space<hbm>>
          tpu.enqueue_dma source(%arg10 : memref<40x128xf32, #tpu.memory_space<vmem>>) target(%dma_start3A_35 : memref<40x128xf32, #tpu.memory_space<hbm>>) target_semaphore(%run_scoped3A : memref<!tpu.dma_semaphore, #tpu.memory_space<semaphore_mem>>)
          %dma_wait3A = arith.constant 0 : i32
          %dma_wait3A_36 = tpu.memref_slice %arg6[%arg0, %add3A_30, %dma_wait3A] : memref<2x10000x128xf32, #tpu.memory_space<hbm>> -> memref<1x40x128xf32, #tpu.memory_space<hbm>>
          %dma_wait3A_37 = tpu.memref_squeeze %dma_wait3A_36 : memref<1x40x128xf32, #tpu.memory_space<hbm>> -> memref<40x128xf32, #tpu.memory_space<hbm>>
          %dma_wait3A_38 = arith.constant 0 : i32
          %dma_wait3A_39 = tpu.memref_slice %arg6[%arg0, %add3A_30, %dma_wait3A_38] : memref<2x10000x128xf32, #tpu.memory_space<hbm>> -> memref<1x40x128xf32, #tpu.memory_space<hbm>>
          %dma_wait3A_40 = tpu.memref_squeeze %dma_wait3A_39 : memref<1x40x128xf32, #tpu.memory_space<hbm>> -> memref<40x128xf32, #tpu.memory_space<hbm>>
          tpu.wait_dma2 semaphore(%run_scoped3A : memref<!tpu.dma_semaphore, #tpu.memory_space<semaphore_mem>>) src(%arg10 : memref<40x128xf32, #tpu.memory_space<vmem>>) dst(%dma_wait3A_40 : memref<40x128xf32, #tpu.memory_space<hbm>>)
          tpu.yield
        }) : () -> ()
      }
      %scan3A_19 = arith.constant 25 : i32
    } else {
    }
    return
  }
}

module attributes {stable_mosaic.version = 14 : i64} {
  func.func @_prep_body(%arg0: i32, %arg1: memref<2x1000x1xf32, #tpu.memory_space<vmem>>, %arg2: memref<1000x128xf32, #tpu.memory_space<vmem>>, %arg3: memref<1000x128xf32, #tpu.memory_space<vmem>>, %arg4: memref<1000x1xf32, #tpu.memory_space<vmem>>) attributes {dimension_semantics = [#tpu.dimension_semantics<arbitrary>], iteration_bounds = array<i64: 10>, scalar_prefetch = 0 : i64, scratch_operands = 0 : i64, tpu.core_type = #tpu.core_type<tc>, window_params = [{transform_indices = @transform_0, window_bounds = array<i64: 2, 1000, 1>}, {transform_indices = @transform_1, window_bounds = array<i64: 1000, 128>}, {transform_indices = @transform_2, window_bounds = array<i64: 1000, 128>}, {transform_indices = @transform_3, window_bounds = array<i64: 1000, 1>}]} {
    %get3A = arith.constant 0 : index
    %get3A_0 = arith.constant 0 : index
    %get3A_1 = arith.constant 0 : index
    %get3A_2 = vector.load %arg1[%get3A, %get3A_0, %get3A_1] : memref<2x1000x1xf32, #tpu.memory_space<vmem>>, vector<1x1000x1xf32>
    %get3A_3 = vector.shape_cast %get3A_2 : vector<1x1000x1xf32> to vector<1000x1xf32>
    %get3A_4 = arith.constant 1 : index
    %get3A_5 = arith.constant 0 : index
    %get3A_6 = arith.constant 0 : index
    %get3A_7 = vector.load %arg1[%get3A_4, %get3A_5, %get3A_6] : memref<2x1000x1xf32, #tpu.memory_space<vmem>>, vector<1x1000x1xf32>
    %get3A_8 = vector.shape_cast %get3A_7 : vector<1x1000x1xf32> to vector<1000x1xf32>
    %add3A = arith.addf %get3A_3, %get3A_8 : vector<1000x1xf32>
    %add3A_9 = arith.constant 1.000000e+00 : f32
    %add3A_10 = vector.broadcast %add3A_9 : f32 to vector<1000x1xf32>
    %add3A_11 = arith.addf %add3A, %add3A_10 : vector<1000x1xf32>
    %rsqrt3A = math.rsqrt %add3A_11 : vector<1000x1xf32>
    %swap3A = arith.constant 0 : index
    %swap3A_12 = arith.constant 0 : index
    %swap3A_13 = vector.load %arg4[%swap3A, %swap3A_12] : memref<1000x1xf32, #tpu.memory_space<vmem>>, vector<1000x1xf32>
    tpu.vector_store %arg4[%swap3A, %swap3A_12], %rsqrt3A {strides = array<i32>} : memref<1000x1xf32, #tpu.memory_space<vmem>>, vector<1000x1xf32>,
    %get3A_14 = arith.constant 0 : index
    %get3A_15 = arith.constant 0 : index
    %get3A_16 = vector.load %arg2[%get3A_14, %get3A_15] : memref<1000x128xf32, #tpu.memory_space<vmem>>, vector<1000x128xf32>
    %mul3A = vector.broadcast %rsqrt3A : vector<1000x1xf32> to vector<1000x128xf32>
    %mul3A_17 = arith.mulf %get3A_16, %mul3A : vector<1000x128xf32>
    %swap3A_18 = arith.constant 0 : index
    %swap3A_19 = arith.constant 0 : index
    %swap3A_20 = vector.load %arg3[%swap3A_18, %swap3A_19] : memref<1000x128xf32, #tpu.memory_space<vmem>>, vector<1000x128xf32>
    tpu.vector_store %arg3[%swap3A_18, %swap3A_19], %mul3A_17 {strides = array<i32>} : memref<1000x128xf32, #tpu.memory_space<vmem>>, vector<1000x128xf32>,
    return
  }
  func.func @transform_0(%arg0: i32) -> (i32, i32, i32) {
    %c0_i32 = arith.constant 0 : i32
    %c0_i32_0 = arith.constant 0 : i32
    %c0_i32_1 = arith.constant 0 : i32
    return %c0_i32, %arg0, %c0_i32_0 : i32, i32, i32
  }
  func.func @transform_1(%arg0: i32) -> (i32, i32) {
    %c0_i32 = arith.constant 0 : i32
    %c0_i32_0 = arith.constant 0 : i32
    return %arg0, %c0_i32 : i32, i32
  }
  func.func @transform_2(%arg0: i32) -> (i32, i32) {
    %c0_i32 = arith.constant 0 : i32
    %c0_i32_0 = arith.constant 0 : i32
    return %arg0, %c0_i32 : i32, i32
  }
  func.func @transform_3(%arg0: i32) -> (i32, i32) {
    %c0_i32 = arith.constant 0 : i32
    %c0_i32_0 = arith.constant 0 : i32
    return %arg0, %c0_i32 : i32, i32
  }
}

module attributes {stable_mosaic.version = 14 : i64} {
  func.func @_mid_body(%arg0: i32, %arg1: memref<2x1000x128xf32, #tpu.memory_space<vmem>>, %arg2: memref<1000x128xf32, #tpu.memory_space<vmem>>, %arg3: memref<1000x1xf32, #tpu.memory_space<vmem>>, %arg4: memref<128x256xf32, #tpu.memory_space<vmem>>, %arg5: memref<1x256xf32, #tpu.memory_space<vmem>>, %arg6: memref<256x128xf32, #tpu.memory_space<vmem>>, %arg7: memref<1000x128xf32, #tpu.memory_space<vmem>>) attributes {dimension_semantics = [#tpu.dimension_semantics<arbitrary>], iteration_bounds = array<i64: 10>, scalar_prefetch = 0 : i64, scratch_operands = 0 : i64, tpu.core_type = #tpu.core_type<tc>, window_params = [{transform_indices = @transform_0, window_bounds = array<i64: 2, 1000, 128>}, {transform_indices = @transform_1, window_bounds = array<i64: 1000, 128>}, {transform_indices = @transform_2, window_bounds = array<i64: 1000, 1>}, {pipeline_mode = #tpu.pipeline_mode<synchronous>, transform_indices = @transform_3, window_bounds = array<i64: 128, 256>}, {pipeline_mode = #tpu.pipeline_mode<synchronous>, transform_indices = @transform_4, window_bounds = array<i64: 1, 256>}, {pipeline_mode = #tpu.pipeline_mode<synchronous>, transform_indices = @transform_5, window_bounds = array<i64: 256, 128>}, {transform_indices = @transform_6, window_bounds = array<i64: 1000, 128>}]} {
    %get3A = arith.constant 0 : index
    %get3A_0 = arith.constant 0 : index
    %get3A_1 = vector.load %arg3[%get3A, %get3A_0] : memref<1000x1xf32, #tpu.memory_space<vmem>>, vector<1000x1xf32>
    %get3A_2 = arith.constant 0 : index
    %get3A_3 = arith.constant 0 : index
    %get3A_4 = arith.constant 0 : index
    %get3A_5 = vector.load %arg1[%get3A_2, %get3A_3, %get3A_4] : memref<2x1000x128xf32, #tpu.memory_space<vmem>>, vector<1x1000x128xf32>
    %get3A_6 = vector.shape_cast %get3A_5 : vector<1x1000x128xf32> to vector<1000x128xf32>
    %get3A_7 = arith.constant 1 : index
    %get3A_8 = arith.constant 0 : index
    %get3A_9 = arith.constant 0 : index
    %get3A_10 = vector.load %arg1[%get3A_7, %get3A_8, %get3A_9] : memref<2x1000x128xf32, #tpu.memory_space<vmem>>, vector<1x1000x128xf32>
    %get3A_11 = vector.shape_cast %get3A_10 : vector<1x1000x128xf32> to vector<1000x128xf32>
    %add3A = arith.addf %get3A_6, %get3A_11 : vector<1000x128xf32>
    %get3A_12 = arith.constant 0 : index
    %get3A_13 = arith.constant 0 : index
    %get3A_14 = vector.load %arg2[%get3A_12, %get3A_13] : memref<1000x128xf32, #tpu.memory_space<vmem>>, vector<1000x128xf32>
    %add3A_15 = arith.addf %add3A, %get3A_14 : vector<1000x128xf32>
    %mul3A = vector.broadcast %get3A_1 : vector<1000x1xf32> to vector<1000x128xf32>
    %mul3A_16 = arith.mulf %mul3A, %add3A_15 : vector<1000x128xf32>
    %get3A_17 = arith.constant 0 : index
    %get3A_18 = arith.constant 0 : index
    %get3A_19 = vector.load %arg4[%get3A_17, %get3A_18] : memref<128x256xf32, #tpu.memory_space<vmem>>, vector<128x256xf32>
    %dot_general3A = arith.constant dense<0.000000e+00> : vector<1000x256xf32>
    %dot_general3A_20 = tpu.matmul %mul3A_16, %get3A_19, %dot_general3A {dimension_numbers = #tpu.dot_dimension_numbers<[1], [0], [0], [1], [0, 0, 1, 1], [], []>, transpose_lhs_hint = false} : vector<1000x128xf32>, vector<128x256xf32>, vector<1000x256xf32> -> vector<1000x256xf32>
    %get3A_21 = arith.constant 0 : index
    %get3A_22 = arith.constant 0 : index
    %get3A_23 = vector.load %arg5[%get3A_21, %get3A_22] : memref<1x256xf32, #tpu.memory_space<vmem>>, vector<1x256xf32>
    %add3A_24 = vector.broadcast %get3A_23 : vector<1x256xf32> to vector<1000x256xf32>
    %add3A_25 = arith.addf %dot_general3A_20, %add3A_24 : vector<1000x256xf32>
    %get3A_26 = arith.constant 0 : index
    %get3A_27 = arith.constant 0 : index
    %get3A_28 = vector.load %arg6[%get3A_26, %get3A_27] : memref<256x128xf32, #tpu.memory_space<vmem>>, vector<256x128xf32>
    %dot_general3A_29 = arith.constant dense<0.000000e+00> : vector<1000x128xf32>
    %dot_general3A_30 = tpu.matmul %add3A_25, %get3A_28, %dot_general3A_29 {dimension_numbers = #tpu.dot_dimension_numbers<[1], [0], [0], [1], [0, 0, 1, 1], [], []>, transpose_lhs_hint = false} : vector<1000x256xf32>, vector<256x128xf32>, vector<1000x128xf32> -> vector<1000x128xf32>
    %get3A_31 = arith.constant 0 : index
    %get3A_32 = arith.constant 0 : index
    %get3A_33 = vector.load %arg3[%get3A_31, %get3A_32] : memref<1000x1xf32, #tpu.memory_space<vmem>>, vector<1000x1xf32>
    %mul3A_34 = vector.broadcast %get3A_33 : vector<1000x1xf32> to vector<1000x128xf32>
    %mul3A_35 = arith.mulf %mul3A_34, %dot_general3A_30 : vector<1000x128xf32>
    %swap3A = arith.constant 0 : index
    %swap3A_36 = arith.constant 0 : index
    %swap3A_37 = vector.load %arg7[%swap3A, %swap3A_36] : memref<1000x128xf32, #tpu.memory_space<vmem>>, vector<1000x128xf32>
    tpu.vector_store %arg7[%swap3A, %swap3A_36], %mul3A_35 {strides = array<i32>} : memref<1000x128xf32, #tpu.memory_space<vmem>>, vector<1000x128xf32>,
    return
  }
  func.func @transform_0(%arg0: i32) -> (i32, i32, i32) {
    %c0_i32 = arith.constant 0 : i32
    %c0_i32_0 = arith.constant 0 : i32
    %c0_i32_1 = arith.constant 0 : i32
    return %c0_i32, %arg0, %c0_i32_0 : i32, i32, i32
  }
  func.func @transform_1(%arg0: i32) -> (i32, i32) {
    %c0_i32 = arith.constant 0 : i32
    %c0_i32_0 = arith.constant 0 : i32
    return %arg0, %c0_i32 : i32, i32
  }
  func.func @transform_2(%arg0: i32) -> (i32, i32) {
    %c0_i32 = arith.constant 0 : i32
    %c0_i32_0 = arith.constant 0 : i32
    return %arg0, %c0_i32 : i32, i32
  }
  func.func @transform_3(%arg0: i32) -> (i32, i32) {
    %c0_i32 = arith.constant 0 : i32
    %c0_i32_0 = arith.constant 0 : i32
    %c0_i32_1 = arith.constant 0 : i32
    return %c0_i32, %c0_i32_0 : i32, i32
  }
  func.func @transform_4(%arg0: i32) -> (i32, i32) {
    %c0_i32 = arith.constant 0 : i32
    %c0_i32_0 = arith.constant 0 : i32
    %c0_i32_1 = arith.constant 0 : i32
    return %c0_i32, %c0_i32_0 : i32, i32
  }
  func.func @transform_5(%arg0: i32) -> (i32, i32) {
    %c0_i32 = arith.constant 0 : i32
    %c0_i32_0 = arith.constant 0 : i32
    %c0_i32_1 = arith.constant 0 : i32
    return %c0_i32, %c0_i32_0 : i32, i32
  }
  func.func @transform_6(%arg0: i32) -> (i32, i32) {
    %c0_i32 = arith.constant 0 : i32
    %c0_i32_0 = arith.constant 0 : i32
    return %arg0, %c0_i32 : i32, i32
  }
}

module attributes {stable_mosaic.version = 14 : i64} {
  func.func @_fin_body(%arg0: i32, %arg1: memref<2x1000x128xf32, #tpu.memory_space<vmem>>, %arg2: memref<1000x128xf32, #tpu.memory_space<vmem>>, %arg3: memref<1000x1xf32, #tpu.memory_space<vmem>>, %arg4: memref<1x128xf32, #tpu.memory_space<vmem>>, %arg5: memref<1000x128xf32, #tpu.memory_space<vmem>>, %arg6: memref<1000x128xf32, #tpu.memory_space<vmem>>) attributes {dimension_semantics = [#tpu.dimension_semantics<arbitrary>], iteration_bounds = array<i64: 10>, scalar_prefetch = 0 : i64, scratch_operands = 0 : i64, tpu.core_type = #tpu.core_type<tc>, window_params = [{transform_indices = @transform_0, window_bounds = array<i64: 2, 1000, 128>}, {transform_indices = @transform_1, window_bounds = array<i64: 1000, 128>}, {transform_indices = @transform_2, window_bounds = array<i64: 1000, 1>}, {pipeline_mode = #tpu.pipeline_mode<synchronous>, transform_indices = @transform_3, window_bounds = array<i64: 1, 128>}, {transform_indices = @transform_4, window_bounds = array<i64: 1000, 128>}, {transform_indices = @transform_5, window_bounds = array<i64: 1000, 128>}]} {
    %get3A = arith.constant 0 : index
    %get3A_0 = arith.constant 0 : index
    %get3A_1 = vector.load %arg3[%get3A, %get3A_0] : memref<1000x1xf32, #tpu.memory_space<vmem>>, vector<1000x1xf32>
    %get3A_2 = arith.constant 0 : index
    %get3A_3 = arith.constant 0 : index
    %get3A_4 = arith.constant 0 : index
    %get3A_5 = vector.load %arg1[%get3A_2, %get3A_3, %get3A_4] : memref<2x1000x128xf32, #tpu.memory_space<vmem>>, vector<1x1000x128xf32>
    %get3A_6 = vector.shape_cast %get3A_5 : vector<1x1000x128xf32> to vector<1000x128xf32>
    %get3A_7 = arith.constant 1 : index
    %get3A_8 = arith.constant 0 : index
    %get3A_9 = arith.constant 0 : index
    %get3A_10 = vector.load %arg1[%get3A_7, %get3A_8, %get3A_9] : memref<2x1000x128xf32, #tpu.memory_space<vmem>>, vector<1x1000x128xf32>
    %get3A_11 = vector.shape_cast %get3A_10 : vector<1x1000x128xf32> to vector<1000x128xf32>
    %add3A = arith.addf %get3A_6, %get3A_11 : vector<1000x128xf32>
    %get3A_12 = arith.constant 0 : index
    %get3A_13 = arith.constant 0 : index
    %get3A_14 = vector.load %arg2[%get3A_12, %get3A_13] : memref<1000x128xf32, #tpu.memory_space<vmem>>, vector<1000x128xf32>
    %add3A_15 = arith.addf %add3A, %get3A_14 : vector<1000x128xf32>
    %mul3A = vector.broadcast %get3A_1 : vector<1000x1xf32> to vector<1000x128xf32>
    %mul3A_16 = arith.mulf %mul3A, %add3A_15 : vector<1000x128xf32>
    %get3A_17 = arith.constant 0 : index
    %get3A_18 = arith.constant 0 : index
    %get3A_19 = vector.load %arg4[%get3A_17, %get3A_18] : memref<1x128xf32, #tpu.memory_space<vmem>>, vector<1x128xf32>
    %add3A_20 = vector.broadcast %get3A_19 : vector<1x128xf32> to vector<1000x128xf32>
    %add3A_21 = arith.addf %mul3A_16, %add3A_20 : vector<1000x128xf32>
    %get3A_22 = arith.constant 0 : index
    %get3A_23 = arith.constant 0 : index
    %get3A_24 = vector.load %arg5[%get3A_22, %get3A_23] : memref<1000x128xf32, #tpu.memory_space<vmem>>, vector<1000x128xf32>
    %add3A_25 = arith.addf %add3A_21, %get3A_24 : vector<1000x128xf32>
    %reduce_max3A = arith.constant dense<0xFF800000> : vector<1000xf32>
    %reduce_max3A_26 = vector.multi_reduction <maximumf>, %add3A_25, %reduce_max3A [1] : vector<1000x128xf32> to vector<1000xf32>
    %broadcast_in_dim3A = vector.shape_cast %reduce_max3A_26 : vector<1000xf32> to vector<1000x1xf32>
    %iota3A = tpu.iota {dimensions = array<i32: 1>} : vector<1000x128xi32>
    %ge3A = vector.broadcast %broadcast_in_dim3A : vector<1000x1xf32> to vector<1000x128xf32>
    %ge3A_27 = arith.cmpf oge, %add3A_25, %ge3A : vector<1000x128xf32>
    %jit3A = arith.constant 128 : i32
    %broadcast_in_dim3A_28 = vector.broadcast %jit3A : i32 to vector<1000x128xi32>
    %select_n3A = arith.select %ge3A_27, %iota3A, %broadcast_in_dim3A_28 : vector<1000x128xi1>, vector<1000x128xi32>
    %reduce_min3A = arith.constant dense<2147483647> : vector<1000xi32>
    %reduce_min3A_29 = vector.multi_reduction <minsi>, %select_n3A, %reduce_min3A [1] : vector<1000x128xi32> to vector<1000xi32>
    %broadcast_in_dim3A_30 = vector.shape_cast %reduce_min3A_29 : vector<1000xi32> to vector<1000x1xi32>
    %eq3A = vector.broadcast %broadcast_in_dim3A_30 : vector<1000x1xi32> to vector<1000x128xi32>
    %eq3A_31 = arith.cmpi eq, %iota3A, %eq3A : vector<1000x128xi32>
    %convert_element_type3A = arith.extui %eq3A_31 : vector<1000x128xi1> to vector<1000x128xi32>
    %convert_element_type3A_32 = arith.sitofp %convert_element_type3A : vector<1000x128xi32> to vector<1000x128xf32>
    %swap3A = arith.constant 0 : index
    %swap3A_33 = arith.constant 0 : index
    %swap3A_34 = vector.load %arg6[%swap3A, %swap3A_33] : memref<1000x128xf32, #tpu.memory_space<vmem>>, vector<1000x128xf32>
    tpu.vector_store %arg6[%swap3A, %swap3A_33], %convert_element_type3A_32 {strides = array<i32>} : memref<1000x128xf32, #tpu.memory_space<vmem>>, vector<1000x128xf32>,
    return
  }
  func.func @transform_0(%arg0: i32) -> (i32, i32, i32) {
    %c0_i32 = arith.constant 0 : i32
    %c0_i32_0 = arith.constant 0 : i32
    %c0_i32_1 = arith.constant 0 : i32
    return %c0_i32, %arg0, %c0_i32_0 : i32, i32, i32
  }
  func.func @transform_1(%arg0: i32) -> (i32, i32) {
    %c0_i32 = arith.constant 0 : i32
    %c0_i32_0 = arith.constant 0 : i32
    return %arg0, %c0_i32 : i32, i32
  }
  func.func @transform_2(%arg0: i32) -> (i32, i32) {
    %c0_i32 = arith.constant 0 : i32
    %c0_i32_0 = arith.constant 0 : i32
    return %arg0, %c0_i32 : i32, i32
  }
  func.func @transform_3(%arg0: i32) -> (i32, i32) {
    %c0_i32 = arith.constant 0 : i32
    %c0_i32_0 = arith.constant 0 : i32
    %c0_i32_1 = arith.constant 0 : i32
    return %c0_i32, %c0_i32_0 : i32, i32
  }
  func.func @transform_4(%arg0: i32) -> (i32, i32) {
    %c0_i32 = arith.constant 0 : i32
    %c0_i32_0 = arith.constant 0 : i32
    return %arg0, %c0_i32 : i32, i32
  }
  func.func @transform_5(%arg0: i32) -> (i32, i32) {
    %c0_i32 = arith.constant 0 : i32
    %c0_i32_0 = arith.constant 0 : i32
    return %arg0, %c0_i32 : i32, i32
  }
}

</mosaic_0001>

<sc_bundles>
// kernel: kernel.11.cloned.1.call-start
scs
__scs_entry_jumppad:
0x0: {  	(pc) =	sbr.rel $0x88, $3  }
0x1: {  	(tag) =	ssettag $0x0;
	lr =	simm.s32 $0x1  }
0x2: {  	[smem:$0x3F9A] =	sst lr;
	_ =	strace $0xD0000000  }
0x3: {  	_ = 	snop  }
0x4: {  	_ = 	snop  }
0x5: {  	_ = 	snop  }
0x6: {  	_ = 	snop  }
0x7: {  	_ = 	snop  }
__scs_overlays_trampoline_lowered:
0x8: {  	[smem:$0x3FA9] =	sst s0  }
0x9: {  	[smem:$0x3FAA] =	sst s1  }
0xa: {  	[smem:$0x3FAB] =	sst s2  }
0xb: {  	[smem:$0x3FAC] =	sst s3  }
0xc: {  	[smem:$0x3FAD] =	sst s4  }
0xd: {  	[smem:$0x3FAE] =	sst s5  }
0xe: {  	[smem:$0x3FAF] =	sst s6  }
0xf: {  	[smem:$0x3FB0] =	sst s7  }
0x10: {  	[smem:$0x3FB1] =	sst s8  }
0x11: {  	[smem:$0x3FB2] =	sst s9;
	s0 =	simm.s32 @!p0 $0x0  }
0x12: {  	s1 =	sld [smem:$0x3F98];
	s0 =	simm.s32 @p0 $0x1  }
0x13: {  	[smem:$0x3FB3] =	sst s0;
	s0 =	simm.s32 @!p1 $0x0  }
0x14: {  	s2 =	sld [smem:$0x3F97];
	s0 =	simm.s32 @p1 $0x1  }
0x15: {  	[smem:$0x3FB4] =	sst s0;
	s0 =	simm.s32 @!p2 $0x0  }
0x16: {  	s3 =	sld [smem:$0x3FDB];
	s0 =	simm.s32 @p2 $0x1  }
0x17: {  	s4 =	simm.s32 $0x1BF5;
	[smem:$0x3FB6] =	sst s0  }
0x18: {  	s0 =	sld [smem:$0x3F99];
	_ =	swait.ge [sflag:s4], $0x0  }
0x19: {  	s7 =	sld [smem:$0x3F9A]  }
0x1a: {  	s8 =	sadd.s32 $0xFFFFE003, lr  }
0x1b: {  	s9 =	sadd.s32 $0xFFFFFEF7, lr;
	s5 =	simm.s32 $0xFFFFFFFF;
	p2 =	slt.u32 s8, $0xFFFFF086  }
0x1c: {  	p1 =	slt.u32 s9, $0xF7A;
	s5 =	simm.s32 @!p2 $0x0  }
0x1d: {  	s5 =	simm.s32 @p1 $0x1;
	p0 =	seq.s32 s7, s2  }
0x1e: {  	s7 =	smul.u32 @!p0 $0xF7A, s2;
	p2 =	seq.s32 @!p0 s5, $0x0  }
0x1f: {  	s9 =	smul.u32 $0xF7A, s1;
	s8 =	simm.s32 @!p0 $0x1BF5;
	p2 =	por !p2, p0  }
0x20: {  	[sflag:s8] =	ssyncset.s32 @!p0 $0xFFFFF086;
	s6 =	sadd.s32 @!p0 s3, s7;
	s7 =	simm.s32 @!p0 $0x108  }
0x21: {  	s3 =	sadd.s32 s3, s9;
	s6 =	sadd.s32 @!p0 $0x88, s6;
	s7 =	simm.s32 @p2 $0x1082  }
0x22: {  	[simem:s7], [sflag:s8] =	dma.local @!p0 [hbm:s6], $0xF7A  }
0x23: {  	s9 =	sor.u32 $0xD0000000, s2;
	s6 =	simm.s32 $0x108;
	_ =	swait.ge @!p0 [sflag:s8], $0x0  }
0x24: {  	s3 =	sadd.s32 $0x88, s3;
	s6 =	simm.s32 @!p1 $0x1082;
	[sflag:s4] =	ssyncset.s32 $0xFFFFF086  }
0x25: {  	[simem:s6], [sflag:s4] =	dma.local [hbm:s3], $0xF7A  }
0x26: {  	[smem:$0x3F9A] =	sst s1;
	(tag) =	ssettag s2;
	_ =	strace s9  }
0x27: {  	s1 =	sld [smem:$0x3FAA]  }
0x28: {  	s2 =	sld [smem:$0x3FAB]  }
0x29: {  	s4 =	sld [smem:$0x3FAD]  }
0x2a: {  	p0 =	seq.s32 s5, $0x0;
	s5 =	sld [smem:$0x3FAE]  }
0x2b: {  	s6 =	sld [smem:$0x3FAF]  }
0x2c: {  	s7 =	sld [smem:$0x3FB0]  }
0x2d: {  	s3 =	simm.s32 $0x108;
	s8 =	sld [smem:$0x3FB1]  }
0x2e: {  	s3 =	simm.s32 @!p0 $0x1082;
	s9 =	sld [smem:$0x3FB2]  }
0x2f: {  	lr =	sadd.s32 s0, s3;
	s0 =	sld [smem:$0x3FA9]  }
0x30: {  	s3 =	sld [smem:$0x3FAC]  }
0x31: {  	[smem:$0x3FB5] =	sst s10  }
0x32: {  	s10 =	sld [smem:$0x3FB3];
	_ =	sdelay $0x3  }
0x33: {  	p0 =	seq.s32 s10, $0x1;
	s10 =	sld [smem:$0x3FB5];
	_ =	sdelay $0x3  }
0x34: {  	[smem:$0x3FB5] =	sst s10  }
0x35: {  	s10 =	sld [smem:$0x3FB4];
	_ =	sdelay $0x3  }
0x36: {  	p1 =	seq.s32 s10, $0x1;
	s10 =	sld [smem:$0x3FB5];
	_ =	sdelay $0x3  }
0x37: {  	[smem:$0x3FB5] =	sst s10  }
0x38: {  	s10 =	sld [smem:$0x3FB6]  }
0x39: {  	_ = 	snop;
	(pc) =	sbr.ind lr, $3  }
0x3a: {  	_ = 	snop  }
0x3b: {  	_ = 	snop  }
0x3c: {  	p2 =	seq.s32 s10, $0x1;
	s10 =	sld [smem:$0x3FB5]  }
0x3d: {  	_ =	shalt  }
0x3e: {  	_ =	shalt  }
0x3f: {  	_ =	shalt  }
0x40: {  	_ =	shalt  }
0x41: {  	_ =	shalt  }
0x42: {  	_ =	shalt  }
0x43: {  	_ =	shalt  }
0x44: {  	_ =	shalt  }
0x45: {  	_ =	shalt  }
0x46: {  	_ =	shalt  }
0x47: {  	_ =	shalt  }
0x48: {  	_ =	shalt  }
0x49: {  	_ =	shalt  }
0x4a: {  	_ =	shalt  }
0x4b: {  	_ =	shalt  }
0x4c: {  	_ =	shalt  }
0x4d: {  	_ =	shalt  }
0x4e: {  	_ =	shalt  }
0x4f: {  	_ =	shalt  }
0x50: {  	_ =	shalt  }
0x51: {  	_ =	shalt  }
0x52: {  	_ =	shalt  }
0x53: {  	_ =	shalt  }
0x54: {  	_ =	shalt  }
0x55: {  	_ =	shalt  }
0x56: {  	_ =	shalt  }
0x57: {  	_ =	shalt  }
0x58: {  	_ =	shalt  }
0x59: {  	_ =	shalt  }
0x5a: {  	_ =	shalt  }
0x5b: {  	_ =	shalt  }
0x5c: {  	_ =	shalt  }
0x5d: {  	_ =	shalt  }
0x5e: {  	_ =	shalt  }
0x5f: {  	_ =	shalt  }
0x60: {  	_ =	shalt  }
0x61: {  	_ =	shalt  }
0x62: {  	_ =	shalt  }
0x63: {  	_ =	shalt  }
0x64: {  	_ =	shalt  }
0x65: {  	_ =	shalt  }
0x66: {  	_ =	shalt  }
0x67: {  	_ =	shalt  }
0x68: {  	_ =	shalt  }
0x69: {  	_ =	shalt  }
0x6a: {  	_ =	shalt  }
0x6b: {  	_ =	shalt  }
0x6c: {  	_ =	shalt  }
0x6d: {  	_ =	shalt  }
0x6e: {  	_ =	shalt  }
0x6f: {  	_ =	shalt  }
0x70: {  	_ =	shalt  }
0x71: {  	_ =	shalt  }
0x72: {  	_ =	shalt  }
0x73: {  	_ =	shalt  }
0x74: {  	_ =	shalt  }
0x75: {  	_ =	shalt  }
0x76: {  	_ =	shalt  }
0x77: {  	_ =	shalt  }
0x78: {  	_ =	shalt  }
0x79: {  	_ =	shalt  }
0x7a: {  	_ =	shalt  }
0x7b: {  	_ =	shalt  }
0x7c: {  	_ =	shalt  }
0x7d: {  	_ =	shalt  }
0x7e: {  	_ =	shalt  }
0x7f: {  	_ =	shalt  }
0x80: {  	_ =	shalt  }
0x81: {  	_ =	shalt  }
0x82: {  	_ =	shalt  }
0x83: {  	_ =	shalt  }
0x84: {  	_ =	shalt  }
0x85: {  	_ =	shalt  }
0x86: {  	_ =	shalt  }
0x87: {  	_ =	shalt  }
.Lfunc_end0:
.L_simem_size_0:
called_computation.1_lowered:
.L_overlay_start_0:
0x88: {  	s2 =	sld [smem:$0x3FD9]  }
0x89: {  	s3 =	sld [smem:$0x3FFE];
	_ =	sdelay $0x1  }
0x8a: {  	s1 =	srdreg.scid  }
0x8b: {  	s0 =	sand.u32 $0x1, s1  }
0x8c: {  	s17 =	sshll.u32 s0, $0xA;
	s2 =	sadd.s32 s3, s2  }
0x8d: {  	s2 =	sadd.s32 s2, s17  }
0x8e: {  	[smem:$0x3FC1] =	sst s2  }
0x8f: {  	_ = 	snop  }
0x90: {  	s2 =	sld [smem:$0x3FD0];
	(tm) =	ssettm $0x1  }
0x91: {  	s18 =	sld [smem:$0x3FFB];
	_ =	sdelay $0x3  }
0x92: {  	_ =	strace s18  }
0x93: {  	s3 =	sld [smem:$0x3FFC];
	_ =	sdelay $0x3  }
0x94: {  	_ =	strace s3  }
0x95: {  	s3 =	sld [smem:$0x3FFD];
	_ =	sdelay $0x3  }
0x96: {  	_ =	strace s3  }
0x97: {  	_ =	strace $0x8FFFFFFF  }
0x98: {  	s19 =	sld [smem:$0x3FDB];
	_ =	sdelay $0x1  }
0x99: {  	s4 =	simm.s32 $_scs_section_size  }
0x9a: {  	s5 =	simm.s32 $_size__tile_overlayer_lowered;
	s6 =	simm.s32 $_tile_overlayer_lowered  }
0x9b: {  	s22 =	simm.s32 $0x1BFF;
	s21 =	sshll.u32 s6, $0x1;
	s3 =	sadd.s32 s4, s19  }
0x9c: {  	s7 =	simm.s32 $0x0;
	s20 =	sshll.u32 s5, $0x1;
	s5 =	sadd.s32 s21, s3  }
0x9d: {  	[timem:s7], [sflag:s22] =	dma.local [hbm:s5], s20  }
0x9e: {  	_ =	swait.ge [sflag:s22], s20  }
0x9f: {  	s4 =	ssub.s32 $0x0, s20;
	[sflag:s22] =	ssyncset.done $0x0  }
0xa0: {  	[sflag:s22] =	ssyncadd.s32 s4;
	_ =	sdelay $0x1  }
0xa1: {  	s23 =	simm.s32 $0x1B8B  }
0xa2: {  	_ =	swait.ge [sflag:s23], $0x1  }
0xa3: {  	[sflag:s23] =	ssyncset.done $0x0  }
0xa4: {  	s25 =	simm.s32 $0x1B8E;
	s24 =	sld [smem:$0x3FFE];
	[sflag:s23] =	ssyncadd.s32 $0xFFFFFFFF  }
0xa5: {  	s26 =	simm.s32 $execute0_lowered;
	[smem:$0x3FD2] =	sst s25  }
0xa6: {  	s5 =	sshll.u32 s26, $0x1;
	_ =	strace $0x80000049;
	[dreg:$0x1] =	wrdreg $0xFFFFFFFF  }
0xa7: {  	s28 =	simm.s32 $_size_execute0_lowered;
	s3 =	sadd.s32 s3, s5;
	[dreg:$0x0] =	wrdreg $0x0  }
0xa8: {  	s5 =	sshll.u32 s28, $0x1;
	[dreg:$0x2] =	wrdreg s3  }
0xa9: {  	[dreg:$0x3] =	wrdreg s5  }
0xaa: {  	[dreg:$0x4] =	wrdreg $0xC0  }
0xab: {  	_ =	task [dreg:s7], $0x5FFFF  }
0xac: {  	[dreg:$0x1] =	wrdreg $0xFFFFFFFF  }
0xad: {  	[dreg:$0x0] =	wrdreg $0x60  }
0xae: {  	[dreg:$0x2] =	wrdreg s2  }
0xaf: {  	[dreg:$0x3] =	wrdreg s24  }
0xb0: {  	[dreg:$0x4] =	wrdreg $0xA4000  }
0xb1: {  	[dreg:$0x5] =	wrdreg $0x9  }
0xb2: {  	_ =	task.clear_ibuf [dreg:s7], $0x6FFFF;
	_ =	strace $0x90000049  }
0xb3: {  	s29 =	simm.s32 $0x9;
	_ =	strace $0x8000004B  }
0xb4: {  	_ =	swait.ge [sflag:s29], $0x1  }
0xb5: {  	[sflag:s29] =	ssyncadd.s32 $0xFFFFFFFF  }
0xb6: {  	_ =	strace $0x9000004B  }
0xb7: {  	_ =	sfence  }
0xb8: {  	s30 =	sld [smem:$0x0];
	_ =	sdelay $0x2  }
0xb9: {  	s31 =	sshll.u32 s1, $0xD;
	s1 =	sshrl.u32 s1, $0x2  }
0xba: {  	s3 =	sand.u32 $0x4000, s31;
	s1 =	sadd.s32 s1, s30  }
0xbb: {  	s0 =	sor.u32 s3, s0;
	s1 =	sshll.u32 s1, $0x11  }
0xbc: {  	s0 =	sor.u32 s1, s0  }
0xbd: {  	s0 =	sadd.s32 $0x8F2B, s0  }
0xbe: {  	[sflag:s0] =	ssyncadd.remote.s32 $0x1  }
0xbf: {  	_ =	sfence.sel $0xFFFF  }
0xc0: {  	[dreg:$0x0] =	wrdreg $0xFFFFFFFF;
	(pc) =	sbr.abs _section_cstart, $3  }
0xc1: {  	[dreg:$0x1] =	wrdreg $0xFFFFFFFF  }
0xc2: {  	_ =	task.clear_ibuf [dreg:s7], $0x2FFFF;
	_ =	strace $0x9FFFFFFF  }
0xc3: {  	(tm) =	ssettm $0x7FFFFFFF  }
tec
execute0_lowered:
.L_overlay_start_1:
0x0: {  	(tag) =	ssettag $0x1  }
0x1: {  	s2 =	rddreg [dreg:$0x0]  }
0x2: {  	s0 =	srdreg.scid;
	s6 =	rddreg [dreg:$0x1]  }
0x3: {  	s3 =	rddreg [dreg:$0x2];
	s4 =	simm.s32 $0x0;
	s12 =	simm.s32 $0x2  }
0x4: {  	s13 =	simm.s32 $0x2800;
	s14 =	simm.s32 $0x7D;
	s15 =	simm.s32 $0x5000  }
0x5: {  	s16 =	simm.s32 $0x1;
	s5 =	sand.u32 $0x1, s0;
	s0 =	stileid.u32  }
0x6: {  	s17 =	simm.s32 $0x0;
	[smem:$0x7FF] =	sst s4;
	s8 =	smul.u32 $0x138800, s5  }
0x7: {  	s1 =	sshll.u32 s5, $0x4;
	s9 =	smul.u32 $0x1F400, s0;
	s28 =	ssub.s32 $0x2, s5  }
0x8: {  	s10 =	smul.u32 $0x7D000, s0;
	s5 =	sadd.s32 $0xCC00, s6;
	s1 =	sor.u32 s0, s1  }
0x9: {  	p0 =	sgt.u32 s0, $0x9;
	s29 =	sshrl.u32 s28, $0x1;
	s7 =	smul.u32 $0x500, s1  }
.Ltmp0:
0xa: {  	s1 =	rddreg [dreg:$0x3];
	_ =	strace $0x8000004A;
	(pc) =	sbr.rel .LBB2_1-.Ltmp0, $4  }
0xb: {  	s8 =	sadd.s32 s9, s8;
	s30 =	ssub.s32 s28, s29;
	s31 =	sshrl.u32 s10, $0x2  }
0xc: {  	s8 =	sshrl.u32 s8, $0x3;
	s9 =	sadd.s32 s31, s3;
	s7 =	sadd.s32 s7, s6  }
0xd: {  	s11 =	sadd.s32 s8, s6;
	s8 =	smax.u32 s30, $0x1;
	s6 =	sadd.s32 $0xD000, s7  }
0xe: {  	s7 =	sadd.s32 $0x2C00, s7;
	s10 =	sadd.s32 $0x17000, s11;
	s11 =	simm.s32 $0x9000  }
.LBB2_10:
0xf: {  	[sflag:s12] =	ssyncadd.s32 $0xFFFFEC00  }
.LBB2_11:
0x10: {  	s17 =	sadd.s32 $0x1, s17  }
0x11: {  	p1 =	sne.s32 s17, s8  }
.Ltmp1:
0x12: {  	_ = 	snop;
	(pc) =	sbr.rel @!p1 .LBB2_12-.Ltmp1, $1  }
0x13: {  	_ =	sdelay $0x3  }
.LBB2_1:
.Ltmp2:
0x14: {  	(pc) =	sbr.rel @p0 .LBB2_5-.Ltmp2, $1  }
0x15: {  	_ =	sdelay $0x3  }
0x16: {  	s18 =	simm.s32 $0x0  }
0x17: {  	[tilespmem:s11], [sflag:$0x2] =	stream.linear.gather [hbm4b:s5+s18], $0x1400, $0x38;
	[tilespmem:$0x1DC80] =	vst v63  }
0x18: {  	_ =	swait.ge [sflag:s12], $0x1400  }
0x19: {  	[sflag:s12] =	ssyncset.done $0x0  }
0x1a: {  	s31 =	sadd.s32 $0x0, s9;
	[sflag:s12] =	ssyncadd.s32 $0xFFFFEC00  }
0x1b: {  	[spmem:s31] =	stream.linear.scatter [tilespmem:s11], [sflag:$0x2], $0x1400, $0x38;
	[tilespmem:$0x1DC80] =	vst v63  }
0x1c: {  	s18 =	simm.s32 $0x5000;
	_ =	swait.ge [sflag:s12], $0x1400  }
.LBB2_3:
0x1d: {  	s19 =	sshra.s32 s18, $0x2;
	[sflag:s12] =	ssyncset.done $0x0;
	p1 =	sne.s32 s18, $0x78000  }
.Ltmp3:
0x1e: {  	s19 =	sadd.s32 s19, s9;
	[sflag:s12] =	ssyncadd.s32 $0xFFFFEC00;
	(pc) =	sbr.rel @p1 .LBB2_3-.Ltmp3, $3  }
0x1f: {  	[spmem:s19] =	stream.linear.scatter [tilespmem:s11], [sflag:$0x2], $0x1400, $0x38;
	[tilespmem:$0x1DC80] =	vst v63  }
0x20: {  	s18 =	sadd.s32 $0x5000, s18;
	_ =	sdelay $0x1  }
0x21: {  	_ =	swait.ge [sflag:s12], $0x1400  }
0x22: {  	[sflag:s12] =	ssyncset.done $0x0  }
0x23: {  	[sflag:s12] =	ssyncadd.s32 $0xFFFFEC00  }
.LBB2_5:
0x24: {  	s18 =	simm.s32 $0x0  }
0x25: {  	[tilespmem:s18], [sflag:$0x2] =	stream.linear.gather [hbm4b:s6+s18], $0x2800, $0x38;
	[tilespmem:$0x1DC80] =	vst v63  }
0x26: {  	_ =	swait.ge [sflag:s12], $0x2800  }
0x27: {  	[sflag:s12] =	ssyncset.done $0x0  }
0x28: {  	[sflag:s12] =	ssyncadd.s32 $0xFFFFD800  }
0x29: {  	[tilespmem:s13], [sflag:$0x2] =	stream.linear.gather [hbm4b:s7+s18], $0x2800, $0x38;
	[tilespmem:$0x1DC80] =	vst v63  }
0x2a: {  	_ =	swait.ge [sflag:s12], $0x2800  }
0x2b: {  	[sflag:s12] =	ssyncset.done $0x0  }
0x2c: {  	[sflag:s12] =	ssyncadd.s32 $0xFFFFD800  }
0x2d: {  	s30 =	simm.s32 $0x0;
	[bflag:$0x0] =	sbarrier.arrive $0xFFFF  }
0x2e: {  	[tilespmem:s15], [sflag:$0x1] =	stream.indirect.gather [hbm4b:s2+s14], $0x80, s30, s14, $0xb8;
	[tilespmem:$0x1DC80] =	vst v63  }
0x2f: {  	_ =	swait.ge [sflag:s16], $0x3E80  }
0x30: {  	[sflag:s16] =	ssyncset.done $0x0  }
0x31: {  	s31 =	simm.s32 $0x2800;
	[sflag:s16] =	ssyncadd.s32 $0xFFFFC180  }
0x32: {  	[spmem:s3] =	stream.indirect.scatter.add.f32 [tilespmem:s15], [sflag:$0x2], $0x80, s31, s14, $0xb8;
	[tilespmem:$0x1DC80] =	vst v63  }
0x33: {  	_ =	swait.ge [sflag:s12], $0x3E80  }
0x34: {  	s19 =	simm.s32 $0x400;
	s18 =	simm.s32 $0x200;
	[sflag:s12] =	ssyncset.done $0x0  }
.LBB2_6:
0x35: {  	s20 =	sshra.s32 s18, $0x2  }
0x36: {  	[sflag:s12] =	ssyncadd.s32 $0xFFFFC180;
	s18 =	smov.u32 s19;
	s21 =	sadd.s32 $0x200, s19  }
0x37: {  	[tilespmem:s15], [sflag:$0x1] =	stream.indirect.gather [hbm4b:s2+s14], $0x80, s20, s14, $0xb8;
	[tilespmem:$0x1DC80] =	vst v63  }
0x38: {  	p1 =	sne.s32 s19, $0x9E00;
	_ =	swait.ge [sflag:s16], $0x3E80  }
.Ltmp4:
0x39: {  	[sflag:s16] =	ssyncset.done $0x0;
	(pc) =	sbr.rel @p1 .LBB2_6-.Ltmp4, $4  }
0x3a: {  	s19 =	sadd.s32 $0x2800, s20;
	[sflag:s16] =	ssyncadd.s32 $0xFFFFC180  }
0x3b: {  	[spmem:s3] =	stream.indirect.scatter.add.f32 [tilespmem:s15], [sflag:$0x2], $0x80, s19, s14, $0xb8;
	[tilespmem:$0x1DC80] =	vst v63  }
0x3c: {  	_ =	swait.ge [sflag:s12], $0x3E80  }
0x3d: {  	s19 =	smov.u32 s21;
	[sflag:s12] =	ssyncset.done $0x0  }
0x3e: {  	s18 =	sshra.s32 s18, $0x2;
	[sflag:s12] =	ssyncadd.s32 $0xFFFFC180  }
0x3f: {  	[tilespmem:s15], [sflag:$0x1] =	stream.indirect.gather [hbm4b:s2+s14], $0x80, s18, s14, $0xb8;
	[tilespmem:$0x1DC80] =	vst v63  }
0x40: {  	_ =	swait.ge [sflag:s16], $0x3E80  }
0x41: {  	[sflag:s16] =	ssyncset.done $0x0  }
0x42: {  	s18 =	sadd.s32 $0x2800, s18;
	[sflag:s16] =	ssyncadd.s32 $0xFFFFC180  }
0x43: {  	[spmem:s3] =	stream.indirect.scatter.add.f32 [tilespmem:s15], [sflag:$0x2], $0x80, s18, s14, $0xb8;
	[tilespmem:$0x1DC80] =	vst v63  }
.Ltmp5:
0x44: {  	_ =	swait.ge [sflag:s12], $0x3E80;
	(pc) =	sbr.rel @p0 .LBB2_11-.Ltmp5, $3  }
0x45: {  	[sflag:s12] =	ssyncset.done $0x0  }
0x46: {  	[sflag:s12] =	ssyncadd.s32 $0xFFFFC180  }
0x47: {  	[bflag:$0x0] =	sbarrier.arrive $0xFFFF;
	_ =	sdelay $0x1  }
0x48: {  	[tilespmem:s11], [sflag:$0x2] =	stream.linear.gather [spmem:s9], $0x1400, $0x38;
	[tilespmem:$0x1DC80] =	vst v63  }
0x49: {  	_ =	swait.ge [sflag:s12], $0x1400  }
0x4a: {  	[sflag:s12] =	ssyncset.done $0x0  }
0x4b: {  	s18 =	sadd.s32 $0x0, s10;
	[sflag:s12] =	ssyncadd.s32 $0xFFFFEC00  }
0x4c: {  	[hbm4b:s18+s4] =	stream.linear.scatter [tilespmem:s11], [sflag:$0x2], $0x1400, $0x38;
	[tilespmem:$0x1DC80] =	vst v63  }
0x4d: {  	_ =	swait.ge [sflag:s12], $0x1400  }
0x4e: {  	s19 =	smov.u32 s9;
	s18 =	simm.s32 $0x280;
	[sflag:s12] =	ssyncset.done $0x0  }
.LBB2_9:
0x4f: {  	p1 =	sne.s32 s18, $0x3C00;
	[sflag:s12] =	ssyncadd.s32 $0xFFFFEC00;
	s19 =	sadd.s32 $0x1400, s19  }
0x50: {  	[tilespmem:s11], [sflag:$0x2] =	stream.linear.gather [spmem:s19], $0x1400, $0x38;
	[tilespmem:$0x1DC80] =	vst v63  }
0x51: {  	s20 =	smov.u32 s18;
	s18 =	sadd.s32 $0x280, s18;
	_ =	swait.ge [sflag:s12], $0x1400  }
.Ltmp6:
0x52: {  	[sflag:s12] =	ssyncset.done $0x0;
	(pc) =	sbr.rel @p1 .LBB2_9-.Ltmp6, $4  }
0x53: {  	s20 =	sadd.s32 s20, s10;
	[sflag:s12] =	ssyncadd.s32 $0xFFFFEC00  }
0x54: {  	[hbm4b:s20+s4] =	stream.linear.scatter [tilespmem:s11], [sflag:$0x2], $0x1400, $0x38;
	[tilespmem:$0x1DC80] =	vst v63  }
0x55: {  	_ =	swait.ge [sflag:s12], $0x1400  }
0x56: {  	[sflag:s12] =	ssyncset.done $0x0  }
.Ltmp7:
0x57: {  	_ = 	snop;
	(pc) =	sbr.rel .LBB2_10-.Ltmp7, $1  }
0x58: {  	_ =	sdelay $0x3  }
.LBB2_12:
0x59: {  	_ =	sfence.sel $0x180000  }
0x5a: {  	[bflag:$0x0] =	sbarrier.arrive $0xFFFF  }
0x5b: {  	p0 =	sne.s32 s0, $0x0;
	_ =	strace $0x9000004A  }
0x5c: {  	s0 =	sadd.s32 @!p0 $0x100000, s1;
	[bflag:$0x2] =	sbarrier.arrive $0xFFFF  }
0x5d: {  	[sflag:s0] =	ssyncadd.tile.s32 @!p0 $0x1;
	_ =	shalt  }
.Lfunc_end2:
_tile_overlayer_lowered:
.L_overlay_start_2:
0x5e: {  	(tag) =	ssettag $0x2  }
0x5f: {  	s0 =	rddreg [dreg:$0x0];
	s2 =	stileid.u32  }
0x60: {  	s1 =	rddreg [dreg:$0x1];
	p0 =	sne.s32 s2, $0x0  }
0x61: {  	s3 =	rddreg [dreg:$0x2];
	[bflag:$0x3] =	sbarrier.arrive $0xFFFF;
	s2 =	simm.s32 @!p0 $0x1C02  }
0x62: {  	[timem:s3], [sflag:s2] =	dma.local @!p0 [hbm:s0], s1  }
0x63: {  	s0 =	simm.s32 @!p0 $0x2  }
0x64: {  	_ =	swait.ge @!p0 [sflag:s0], s1  }
0x65: {  	s1 =	ssub.s32 @!p0 $0x0, s1;
	[sflag:s0] =	ssyncset.done @!p0 $0x0  }
0x66: {  	[sflag:s0] =	ssyncadd.s32 @!p0 s1  }
0x67: {  	[bflag:$0x3] =	sbarrier.arrive $0xFFFF  }
0x68: {  	_ =	shalt  }

// kernel: kernel.14.cloned.1.call-start
scs
__scs_entry_jumppad:
0x0: {  	(pc) =	sbr.rel $0x88, $3  }
0x1: {  	(tag) =	ssettag $0x0;
	lr =	simm.s32 $0x1  }
0x2: {  	[smem:$0x3F9A] =	sst lr;
	_ =	strace $0xD0000000  }
0x3: {  	_ = 	snop  }
0x4: {  	_ = 	snop  }
0x5: {  	_ = 	snop  }
0x6: {  	_ = 	snop  }
0x7: {  	_ = 	snop  }
__scs_overlays_trampoline_lowered:
0x8: {  	[smem:$0x3FA9] =	sst s0  }
0x9: {  	[smem:$0x3FAA] =	sst s1  }
0xa: {  	[smem:$0x3FAB] =	sst s2  }
0xb: {  	[smem:$0x3FAC] =	sst s3  }
0xc: {  	[smem:$0x3FAD] =	sst s4  }
0xd: {  	[smem:$0x3FAE] =	sst s5  }
0xe: {  	[smem:$0x3FAF] =	sst s6  }
0xf: {  	[smem:$0x3FB0] =	sst s7  }
0x10: {  	[smem:$0x3FB1] =	sst s8  }
0x11: {  	[smem:$0x3FB2] =	sst s9;
	s0 =	simm.s32 @!p0 $0x0  }
0x12: {  	s1 =	sld [smem:$0x3F98];
	s0 =	simm.s32 @p0 $0x1  }
0x13: {  	[smem:$0x3FB3] =	sst s0;
	s0 =	simm.s32 @!p1 $0x0  }
0x14: {  	s2 =	sld [smem:$0x3F97];
	s0 =	simm.s32 @p1 $0x1  }
0x15: {  	[smem:$0x3FB4] =	sst s0;
	s0 =	simm.s32 @!p2 $0x0  }
0x16: {  	s3 =	sld [smem:$0x3FDB];
	s0 =	simm.s32 @p2 $0x1  }
0x17: {  	s4 =	simm.s32 $0x1BF5;
	[smem:$0x3FB6] =	sst s0  }
0x18: {  	s0 =	sld [smem:$0x3F99];
	_ =	swait.ge [sflag:s4], $0x0  }
0x19: {  	s7 =	sld [smem:$0x3F9A]  }
0x1a: {  	s8 =	sadd.s32 $0xFFFFE003, lr  }
0x1b: {  	s9 =	sadd.s32 $0xFFFFFEF7, lr;
	s5 =	simm.s32 $0xFFFFFFFF;
	p2 =	slt.u32 s8, $0xFFFFF086  }
0x1c: {  	p1 =	slt.u32 s9, $0xF7A;
	s5 =	simm.s32 @!p2 $0x0  }
0x1d: {  	s5 =	simm.s32 @p1 $0x1;
	p0 =	seq.s32 s7, s2  }
0x1e: {  	s7 =	smul.u32 @!p0 $0xF7A, s2;
	p2 =	seq.s32 @!p0 s5, $0x0  }
0x1f: {  	s9 =	smul.u32 $0xF7A, s1;
	s8 =	simm.s32 @!p0 $0x1BF5;
	p2 =	por !p2, p0  }
0x20: {  	[sflag:s8] =	ssyncset.s32 @!p0 $0xFFFFF086;
	s6 =	sadd.s32 @!p0 s3, s7;
	s7 =	simm.s32 @!p0 $0x108  }
0x21: {  	s3 =	sadd.s32 s3, s9;
	s6 =	sadd.s32 @!p0 $0x88, s6;
	s7 =	simm.s32 @p2 $0x1082  }
0x22: {  	[simem:s7], [sflag:s8] =	dma.local @!p0 [hbm:s6], $0xF7A  }
0x23: {  	s9 =	sor.u32 $0xD0000000, s2;
	s6 =	simm.s32 $0x108;
	_ =	swait.ge @!p0 [sflag:s8], $0x0  }
0x24: {  	s3 =	sadd.s32 $0x88, s3;
	s6 =	simm.s32 @!p1 $0x1082;
	[sflag:s4] =	ssyncset.s32 $0xFFFFF086  }
0x25: {  	[simem:s6], [sflag:s4] =	dma.local [hbm:s3], $0xF7A  }
0x26: {  	[smem:$0x3F9A] =	sst s1;
	(tag) =	ssettag s2;
	_ =	strace s9  }
0x27: {  	s1 =	sld [smem:$0x3FAA]  }
0x28: {  	s2 =	sld [smem:$0x3FAB]  }
0x29: {  	s4 =	sld [smem:$0x3FAD]  }
0x2a: {  	p0 =	seq.s32 s5, $0x0;
	s5 =	sld [smem:$0x3FAE]  }
0x2b: {  	s6 =	sld [smem:$0x3FAF]  }
0x2c: {  	s7 =	sld [smem:$0x3FB0]  }
0x2d: {  	s3 =	simm.s32 $0x108;
	s8 =	sld [smem:$0x3FB1]  }
0x2e: {  	s3 =	simm.s32 @!p0 $0x1082;
	s9 =	sld [smem:$0x3FB2]  }
0x2f: {  	lr =	sadd.s32 s0, s3;
	s0 =	sld [smem:$0x3FA9]  }
0x30: {  	s3 =	sld [smem:$0x3FAC]  }
0x31: {  	[smem:$0x3FB5] =	sst s10  }
0x32: {  	s10 =	sld [smem:$0x3FB3];
	_ =	sdelay $0x3  }
0x33: {  	p0 =	seq.s32 s10, $0x1;
	s10 =	sld [smem:$0x3FB5];
	_ =	sdelay $0x3  }
0x34: {  	[smem:$0x3FB5] =	sst s10  }
0x35: {  	s10 =	sld [smem:$0x3FB4];
	_ =	sdelay $0x3  }
0x36: {  	p1 =	seq.s32 s10, $0x1;
	s10 =	sld [smem:$0x3FB5];
	_ =	sdelay $0x3  }
0x37: {  	[smem:$0x3FB5] =	sst s10  }
0x38: {  	s10 =	sld [smem:$0x3FB6]  }
0x39: {  	_ = 	snop;
	(pc) =	sbr.ind lr, $3  }
0x3a: {  	_ = 	snop  }
0x3b: {  	_ = 	snop  }
0x3c: {  	p2 =	seq.s32 s10, $0x1;
	s10 =	sld [smem:$0x3FB5]  }
0x3d: {  	_ =	shalt  }
0x3e: {  	_ =	shalt  }
0x3f: {  	_ =	shalt  }
0x40: {  	_ =	shalt  }
0x41: {  	_ =	shalt  }
0x42: {  	_ =	shalt  }
0x43: {  	_ =	shalt  }
0x44: {  	_ =	shalt  }
0x45: {  	_ =	shalt  }
0x46: {  	_ =	shalt  }
0x47: {  	_ =	shalt  }
0x48: {  	_ =	shalt  }
0x49: {  	_ =	shalt  }
0x4a: {  	_ =	shalt  }
0x4b: {  	_ =	shalt  }
0x4c: {  	_ =	shalt  }
0x4d: {  	_ =	shalt  }
0x4e: {  	_ =	shalt  }
0x4f: {  	_ =	shalt  }
0x50: {  	_ =	shalt  }
0x51: {  	_ =	shalt  }
0x52: {  	_ =	shalt  }
0x53: {  	_ =	shalt  }
0x54: {  	_ =	shalt  }
0x55: {  	_ =	shalt  }
0x56: {  	_ =	shalt  }
0x57: {  	_ =	shalt  }
0x58: {  	_ =	shalt  }
0x59: {  	_ =	shalt  }
0x5a: {  	_ =	shalt  }
0x5b: {  	_ =	shalt  }
0x5c: {  	_ =	shalt  }
0x5d: {  	_ =	shalt  }
0x5e: {  	_ =	shalt  }
0x5f: {  	_ =	shalt  }
0x60: {  	_ =	shalt  }
0x61: {  	_ =	shalt  }
0x62: {  	_ =	shalt  }
0x63: {  	_ =	shalt  }
0x64: {  	_ =	shalt  }
0x65: {  	_ =	shalt  }
0x66: {  	_ =	shalt  }
0x67: {  	_ =	shalt  }
0x68: {  	_ =	shalt  }
0x69: {  	_ =	shalt  }
0x6a: {  	_ =	shalt  }
0x6b: {  	_ =	shalt  }
0x6c: {  	_ =	shalt  }
0x6d: {  	_ =	shalt  }
0x6e: {  	_ =	shalt  }
0x6f: {  	_ =	shalt  }
0x70: {  	_ =	shalt  }
0x71: {  	_ =	shalt  }
0x72: {  	_ =	shalt  }
0x73: {  	_ =	shalt  }
0x74: {  	_ =	shalt  }
0x75: {  	_ =	shalt  }
0x76: {  	_ =	shalt  }
0x77: {  	_ =	shalt  }
0x78: {  	_ =	shalt  }
0x79: {  	_ =	shalt  }
0x7a: {  	_ =	shalt  }
0x7b: {  	_ =	shalt  }
0x7c: {  	_ =	shalt  }
0x7d: {  	_ =	shalt  }
0x7e: {  	_ =	shalt  }
0x7f: {  	_ =	shalt  }
0x80: {  	_ =	shalt  }
0x81: {  	_ =	shalt  }
0x82: {  	_ =	shalt  }
0x83: {  	_ =	shalt  }
0x84: {  	_ =	shalt  }
0x85: {  	_ =	shalt  }
0x86: {  	_ =	shalt  }
0x87: {  	_ =	shalt  }
.Lfunc_end0:
.L_simem_size_0:
called_computation.2_lowered:
.L_overlay_start_0:
0x88: {  	s2 =	sld [smem:$0x3FD9]  }
0x89: {  	s3 =	sld [smem:$0x3FFE];
	_ =	sdelay $0x1  }
0x8a: {  	s1 =	srdreg.scid  }
0x8b: {  	s0 =	sand.u32 $0x1, s1  }
0x8c: {  	s17 =	sshll.u32 s0, $0xA;
	s2 =	sadd.s32 s3, s2  }
0x8d: {  	s2 =	sadd.s32 s2, s17  }
0x8e: {  	[smem:$0x3FC1] =	sst s2  }
0x8f: {  	_ = 	snop  }
0x90: {  	s2 =	sld [smem:$0x3FD0];
	(tm) =	ssettm $0x1  }
0x91: {  	s18 =	sld [smem:$0x3FFB];
	_ =	sdelay $0x3  }
0x92: {  	_ =	strace s18  }
0x93: {  	s3 =	sld [smem:$0x3FFC];
	_ =	sdelay $0x3  }
0x94: {  	_ =	strace s3  }
0x95: {  	s3 =	sld [smem:$0x3FFD];
	_ =	sdelay $0x3  }
0x96: {  	_ =	strace s3  }
0x97: {  	_ =	strace $0x8FFFFFFF  }
0x98: {  	s19 =	sld [smem:$0x3FDB];
	_ =	sdelay $0x1  }
0x99: {  	s4 =	simm.s32 $_scs_section_size  }
0x9a: {  	s5 =	simm.s32 $_size__tile_overlayer_lowered;
	s6 =	simm.s32 $_tile_overlayer_lowered  }
0x9b: {  	s22 =	simm.s32 $0x1BFF;
	s21 =	sshll.u32 s6, $0x1;
	s3 =	sadd.s32 s4, s19  }
0x9c: {  	s7 =	simm.s32 $0x0;
	s20 =	sshll.u32 s5, $0x1;
	s5 =	sadd.s32 s21, s3  }
0x9d: {  	[timem:s7], [sflag:s22] =	dma.local [hbm:s5], s20  }
0x9e: {  	_ =	swait.ge [sflag:s22], s20  }
0x9f: {  	s4 =	ssub.s32 $0x0, s20;
	[sflag:s22] =	ssyncset.done $0x0  }
0xa0: {  	[sflag:s22] =	ssyncadd.s32 s4;
	_ =	sdelay $0x1  }
0xa1: {  	s23 =	simm.s32 $0x1B8B  }
0xa2: {  	_ =	swait.ge [sflag:s23], $0x1  }
0xa3: {  	[sflag:s23] =	ssyncset.done $0x0  }
0xa4: {  	s25 =	simm.s32 $0x1B8E;
	s24 =	sld [smem:$0x3FFE];
	[sflag:s23] =	ssyncadd.s32 $0xFFFFFFFF  }
0xa5: {  	s26 =	simm.s32 $execute0_lowered;
	[smem:$0x3FD2] =	sst s25  }
0xa6: {  	s5 =	sshll.u32 s26, $0x1;
	_ =	strace $0x8000004C;
	[dreg:$0x1] =	wrdreg $0xFFFFFFFF  }
0xa7: {  	s28 =	simm.s32 $_size_execute0_lowered;
	s3 =	sadd.s32 s3, s5;
	[dreg:$0x0] =	wrdreg $0x0  }
0xa8: {  	s5 =	sshll.u32 s28, $0x1;
	[dreg:$0x2] =	wrdreg s3  }
0xa9: {  	[dreg:$0x3] =	wrdreg s5  }
0xaa: {  	[dreg:$0x4] =	wrdreg $0xC0  }
0xab: {  	_ =	task [dreg:s7], $0x5FFFF  }
0xac: {  	[dreg:$0x1] =	wrdreg $0xFFFFFFFF  }
0xad: {  	[dreg:$0x0] =	wrdreg $0x60  }
0xae: {  	[dreg:$0x2] =	wrdreg s2  }
0xaf: {  	[dreg:$0x3] =	wrdreg s24  }
0xb0: {  	[dreg:$0x4] =	wrdreg $0xA4000  }
0xb1: {  	[dreg:$0x5] =	wrdreg $0x9  }
0xb2: {  	_ =	task.clear_ibuf [dreg:s7], $0x6FFFF;
	_ =	strace $0x9000004C  }
0xb3: {  	s29 =	simm.s32 $0x9;
	_ =	strace $0x8000004E  }
0xb4: {  	_ =	swait.ge [sflag:s29], $0x1  }
0xb5: {  	[sflag:s29] =	ssyncadd.s32 $0xFFFFFFFF  }
0xb6: {  	_ =	strace $0x9000004E  }
0xb7: {  	_ =	sfence  }
0xb8: {  	s30 =	sld [smem:$0x0];
	_ =	sdelay $0x2  }
0xb9: {  	s31 =	sshll.u32 s1, $0xD;
	s1 =	sshrl.u32 s1, $0x2  }
0xba: {  	s3 =	sand.u32 $0x4000, s31;
	s1 =	sadd.s32 s1, s30  }
0xbb: {  	s0 =	sor.u32 s3, s0;
	s1 =	sshll.u32 s1, $0x11  }
0xbc: {  	s0 =	sor.u32 s1, s0  }
0xbd: {  	s0 =	sadd.s32 $0x8F2B, s0  }
0xbe: {  	[sflag:s0] =	ssyncadd.remote.s32 $0x1  }
0xbf: {  	_ =	sfence.sel $0xFFFF  }
0xc0: {  	[dreg:$0x0] =	wrdreg $0xFFFFFFFF;
	(pc) =	sbr.abs _section_cstart, $3  }
0xc1: {  	[dreg:$0x1] =	wrdreg $0xFFFFFFFF  }
0xc2: {  	_ =	task.clear_ibuf [dreg:s7], $0x2FFFF;
	_ =	strace $0x9FFFFFFF  }
0xc3: {  	(tm) =	ssettm $0x7FFFFFFF  }
tec
execute0_lowered:
.L_overlay_start_1:
0x0: {  	(tag) =	ssettag $0x1  }
0x1: {  	s2 =	rddreg [dreg:$0x0]  }
0x2: {  	s0 =	srdreg.scid;
	s6 =	rddreg [dreg:$0x1]  }
0x3: {  	s3 =	rddreg [dreg:$0x2];
	s4 =	simm.s32 $0x0;
	s12 =	simm.s32 $0x2  }
0x4: {  	s13 =	simm.s32 $0x2800;
	s14 =	simm.s32 $0x7D;
	s15 =	simm.s32 $0x5000  }
0x5: {  	s16 =	simm.s32 $0x1;
	s5 =	sand.u32 $0x1, s0;
	s0 =	stileid.u32  }
0x6: {  	s17 =	simm.s32 $0x0;
	[smem:$0x7FF] =	sst s4;
	s8 =	smul.u32 $0x138800, s5  }
0x7: {  	s1 =	sshll.u32 s5, $0x4;
	s9 =	smul.u32 $0x1F400, s0;
	s28 =	ssub.s32 $0x2, s5  }
0x8: {  	s10 =	smul.u32 $0x7D000, s0;
	s5 =	sadd.s32 $0xCC00, s6;
	s1 =	sor.u32 s0, s1  }
0x9: {  	p0 =	sgt.u32 s0, $0x9;
	s29 =	sshrl.u32 s28, $0x1;
	s7 =	smul.u32 $0x500, s1  }
.Ltmp0:
0xa: {  	s1 =	rddreg [dreg:$0x3];
	_ =	strace $0x8000004D;
	(pc) =	sbr.rel .LBB2_1-.Ltmp0, $4  }
0xb: {  	s8 =	sadd.s32 s9, s8;
	s30 =	ssub.s32 s28, s29;
	s31 =	sshrl.u32 s10, $0x2  }
0xc: {  	s8 =	sshrl.u32 s8, $0x3;
	s9 =	sadd.s32 s31, s3;
	s7 =	sadd.s32 s7, s6  }
0xd: {  	s11 =	sadd.s32 s8, s6;
	s8 =	smax.u32 s30, $0x1;
	s6 =	sadd.s32 $0xD000, s7  }
0xe: {  	s7 =	sadd.s32 $0x2C00, s7;
	s10 =	sadd.s32 $0x17000, s11;
	s11 =	simm.s32 $0x9000  }
.LBB2_10:
0xf: {  	[sflag:s12] =	ssyncadd.s32 $0xFFFFEC00  }
.LBB2_11:
0x10: {  	s17 =	sadd.s32 $0x1, s17  }
0x11: {  	p1 =	sne.s32 s17, s8  }
.Ltmp1:
0x12: {  	_ = 	snop;
	(pc) =	sbr.rel @!p1 .LBB2_12-.Ltmp1, $1  }
0x13: {  	_ =	sdelay $0x3  }
.LBB2_1:
.Ltmp2:
0x14: {  	(pc) =	sbr.rel @p0 .LBB2_5-.Ltmp2, $1  }
0x15: {  	_ =	sdelay $0x3  }
0x16: {  	s18 =	simm.s32 $0x0  }
0x17: {  	[tilespmem:s11], [sflag:$0x2] =	stream.linear.gather [hbm4b:s5+s18], $0x1400, $0x38;
	[tilespmem:$0x1DC80] =	vst v63  }
0x18: {  	_ =	swait.ge [sflag:s12], $0x1400  }
0x19: {  	[sflag:s12] =	ssyncset.done $0x0  }
0x1a: {  	s31 =	sadd.s32 $0x0, s9;
	[sflag:s12] =	ssyncadd.s32 $0xFFFFEC00  }
0x1b: {  	[spmem:s31] =	stream.linear.scatter [tilespmem:s11], [sflag:$0x2], $0x1400, $0x38;
	[tilespmem:$0x1DC80] =	vst v63  }
0x1c: {  	s18 =	simm.s32 $0x5000;
	_ =	swait.ge [sflag:s12], $0x1400  }
.LBB2_3:
0x1d: {  	s19 =	sshra.s32 s18, $0x2;
	[sflag:s12] =	ssyncset.done $0x0;
	p1 =	sne.s32 s18, $0x78000  }
.Ltmp3:
0x1e: {  	s19 =	sadd.s32 s19, s9;
	[sflag:s12] =	ssyncadd.s32 $0xFFFFEC00;
	(pc) =	sbr.rel @p1 .LBB2_3-.Ltmp3, $3  }
0x1f: {  	[spmem:s19] =	stream.linear.scatter [tilespmem:s11], [sflag:$0x2], $0x1400, $0x38;
	[tilespmem:$0x1DC80] =	vst v63  }
0x20: {  	s18 =	sadd.s32 $0x5000, s18;
	_ =	sdelay $0x1  }
0x21: {  	_ =	swait.ge [sflag:s12], $0x1400  }
0x22: {  	[sflag:s12] =	ssyncset.done $0x0  }
0x23: {  	[sflag:s12] =	ssyncadd.s32 $0xFFFFEC00  }
.LBB2_5:
0x24: {  	s18 =	simm.s32 $0x0  }
0x25: {  	[tilespmem:s18], [sflag:$0x2] =	stream.linear.gather [hbm4b:s6+s18], $0x2800, $0x38;
	[tilespmem:$0x1DC80] =	vst v63  }
0x26: {  	_ =	swait.ge [sflag:s12], $0x2800  }
0x27: {  	[sflag:s12] =	ssyncset.done $0x0  }
0x28: {  	[sflag:s12] =	ssyncadd.s32 $0xFFFFD800  }
0x29: {  	[tilespmem:s13], [sflag:$0x2] =	stream.linear.gather [hbm4b:s7+s18], $0x2800, $0x38;
	[tilespmem:$0x1DC80] =	vst v63  }
0x2a: {  	_ =	swait.ge [sflag:s12], $0x2800  }
0x2b: {  	[sflag:s12] =	ssyncset.done $0x0  }
0x2c: {  	[sflag:s12] =	ssyncadd.s32 $0xFFFFD800  }
0x2d: {  	s30 =	simm.s32 $0x0;
	[bflag:$0x0] =	sbarrier.arrive $0xFFFF  }
0x2e: {  	[tilespmem:s15], [sflag:$0x1] =	stream.indirect.gather [hbm4b:s2+s14], $0x80, s30, s14, $0xb8;
	[tilespmem:$0x1DC80] =	vst v63  }
0x2f: {  	_ =	swait.ge [sflag:s16], $0x3E80  }
0x30: {  	[sflag:s16] =	ssyncset.done $0x0  }
0x31: {  	s31 =	simm.s32 $0x2800;
	[sflag:s16] =	ssyncadd.s32 $0xFFFFC180  }
0x32: {  	[spmem:s3] =	stream.indirect.scatter.add.f32 [tilespmem:s15], [sflag:$0x2], $0x80, s31, s14, $0xb8;
	[tilespmem:$0x1DC80] =	vst v63  }
0x33: {  	_ =	swait.ge [sflag:s12], $0x3E80  }
0x34: {  	s19 =	simm.s32 $0x400;
	s18 =	simm.s32 $0x200;
	[sflag:s12] =	ssyncset.done $0x0  }
.LBB2_6:
0x35: {  	s20 =	sshra.s32 s18, $0x2  }
0x36: {  	[sflag:s12] =	ssyncadd.s32 $0xFFFFC180;
	s18 =	smov.u32 s19;
	s21 =	sadd.s32 $0x200, s19  }
0x37: {  	[tilespmem:s15], [sflag:$0x1] =	stream.indirect.gather [hbm4b:s2+s14], $0x80, s20, s14, $0xb8;
	[tilespmem:$0x1DC80] =	vst v63  }
0x38: {  	p1 =	sne.s32 s19, $0x9E00;
	_ =	swait.ge [sflag:s16], $0x3E80  }
.Ltmp4:
0x39: {  	[sflag:s16] =	ssyncset.done $0x0;
	(pc) =	sbr.rel @p1 .LBB2_6-.Ltmp4, $4  }
0x3a: {  	s19 =	sadd.s32 $0x2800, s20;
	[sflag:s16] =	ssyncadd.s32 $0xFFFFC180  }
0x3b: {  	[spmem:s3] =	stream.indirect.scatter.add.f32 [tilespmem:s15], [sflag:$0x2], $0x80, s19, s14, $0xb8;
	[tilespmem:$0x1DC80] =	vst v63  }
0x3c: {  	_ =	swait.ge [sflag:s12], $0x3E80  }
0x3d: {  	s19 =	smov.u32 s21;
	[sflag:s12] =	ssyncset.done $0x0  }
0x3e: {  	s18 =	sshra.s32 s18, $0x2;
	[sflag:s12] =	ssyncadd.s32 $0xFFFFC180  }
0x3f: {  	[tilespmem:s15], [sflag:$0x1] =	stream.indirect.gather [hbm4b:s2+s14], $0x80, s18, s14, $0xb8;
	[tilespmem:$0x1DC80] =	vst v63  }
0x40: {  	_ =	swait.ge [sflag:s16], $0x3E80  }
0x41: {  	[sflag:s16] =	ssyncset.done $0x0  }
0x42: {  	s18 =	sadd.s32 $0x2800, s18;
	[sflag:s16] =	ssyncadd.s32 $0xFFFFC180  }
0x43: {  	[spmem:s3] =	stream.indirect.scatter.add.f32 [tilespmem:s15], [sflag:$0x2], $0x80, s18, s14, $0xb8;
	[tilespmem:$0x1DC80] =	vst v63  }
.Ltmp5:
0x44: {  	_ =	swait.ge [sflag:s12], $0x3E80;
	(pc) =	sbr.rel @p0 .LBB2_11-.Ltmp5, $3  }
0x45: {  	[sflag:s12] =	ssyncset.done $0x0  }
0x46: {  	[sflag:s12] =	ssyncadd.s32 $0xFFFFC180  }
0x47: {  	[bflag:$0x0] =	sbarrier.arrive $0xFFFF;
	_ =	sdelay $0x1  }
0x48: {  	[tilespmem:s11], [sflag:$0x2] =	stream.linear.gather [spmem:s9], $0x1400, $0x38;
	[tilespmem:$0x1DC80] =	vst v63  }
0x49: {  	_ =	swait.ge [sflag:s12], $0x1400  }
0x4a: {  	[sflag:s12] =	ssyncset.done $0x0  }
0x4b: {  	s18 =	sadd.s32 $0x0, s10;
	[sflag:s12] =	ssyncadd.s32 $0xFFFFEC00  }
0x4c: {  	[hbm4b:s18+s4] =	stream.linear.scatter [tilespmem:s11], [sflag:$0x2], $0x1400, $0x38;
	[tilespmem:$0x1DC80] =	vst v63  }
0x4d: {  	_ =	swait.ge [sflag:s12], $0x1400  }
0x4e: {  	s19 =	smov.u32 s9;
	s18 =	simm.s32 $0x280;
	[sflag:s12] =	ssyncset.done $0x0  }
.LBB2_9:
0x4f: {  	p1 =	sne.s32 s18, $0x3C00;
	[sflag:s12] =	ssyncadd.s32 $0xFFFFEC00;
	s19 =	sadd.s32 $0x1400, s19  }
0x50: {  	[tilespmem:s11], [sflag:$0x2] =	stream.linear.gather [spmem:s19], $0x1400, $0x38;
	[tilespmem:$0x1DC80] =	vst v63  }
0x51: {  	s20 =	smov.u32 s18;
	s18 =	sadd.s32 $0x280, s18;
	_ =	swait.ge [sflag:s12], $0x1400  }
.Ltmp6:
0x52: {  	[sflag:s12] =	ssyncset.done $0x0;
	(pc) =	sbr.rel @p1 .LBB2_9-.Ltmp6, $4  }
0x53: {  	s20 =	sadd.s32 s20, s10;
	[sflag:s12] =	ssyncadd.s32 $0xFFFFEC00  }
0x54: {  	[hbm4b:s20+s4] =	stream.linear.scatter [tilespmem:s11], [sflag:$0x2], $0x1400, $0x38;
	[tilespmem:$0x1DC80] =	vst v63  }
0x55: {  	_ =	swait.ge [sflag:s12], $0x1400  }
0x56: {  	[sflag:s12] =	ssyncset.done $0x0  }
.Ltmp7:
0x57: {  	_ = 	snop;
	(pc) =	sbr.rel .LBB2_10-.Ltmp7, $1  }
0x58: {  	_ =	sdelay $0x3  }
.LBB2_12:
0x59: {  	_ =	sfence.sel $0x180000  }
0x5a: {  	[bflag:$0x0] =	sbarrier.arrive $0xFFFF  }
0x5b: {  	p0 =	sne.s32 s0, $0x0;
	_ =	strace $0x9000004D  }
0x5c: {  	s0 =	sadd.s32 @!p0 $0x100000, s1;
	[bflag:$0x2] =	sbarrier.arrive $0xFFFF  }
0x5d: {  	[sflag:s0] =	ssyncadd.tile.s32 @!p0 $0x1;
	_ =	shalt  }
.Lfunc_end2:
_tile_overlayer_lowered:
.L_overlay_start_2:
0x5e: {  	(tag) =	ssettag $0x2  }
0x5f: {  	s0 =	rddreg [dreg:$0x0];
	s2 =	stileid.u32  }
0x60: {  	s1 =	rddreg [dreg:$0x1];
	p0 =	sne.s32 s2, $0x0  }
0x61: {  	s3 =	rddreg [dreg:$0x2];
	[bflag:$0x3] =	sbarrier.arrive $0xFFFF;
	s2 =	simm.s32 @!p0 $0x1C02  }
0x62: {  	[timem:s3], [sflag:s2] =	dma.local @!p0 [hbm:s0], s1  }
0x63: {  	s0 =	simm.s32 @!p0 $0x2  }
0x64: {  	_ =	swait.ge @!p0 [sflag:s0], s1  }
0x65: {  	s1 =	ssub.s32 @!p0 $0x0, s1;
	[sflag:s0] =	ssyncset.done @!p0 $0x0  }
0x66: {  	[sflag:s0] =	ssyncadd.s32 @!p0 s1  }
0x67: {  	[bflag:$0x3] =	sbarrier.arrive $0xFFFF  }
0x68: {  	_ =	shalt  }

// kernel: kernel.8.cloned.1.call-start
scs
__scs_entry_jumppad:
0x0: {  	(pc) =	sbr.rel $0x88, $3  }
0x1: {  	(tag) =	ssettag $0x0;
	lr =	simm.s32 $0x1  }
0x2: {  	[smem:$0x3F9A] =	sst lr;
	_ =	strace $0xD0000000  }
0x3: {  	_ = 	snop  }
0x4: {  	_ = 	snop  }
0x5: {  	_ = 	snop  }
0x6: {  	_ = 	snop  }
0x7: {  	_ = 	snop  }
__scs_overlays_trampoline_lowered:
0x8: {  	[smem:$0x3FA9] =	sst s0  }
0x9: {  	[smem:$0x3FAA] =	sst s1  }
0xa: {  	[smem:$0x3FAB] =	sst s2  }
0xb: {  	[smem:$0x3FAC] =	sst s3  }
0xc: {  	[smem:$0x3FAD] =	sst s4  }
0xd: {  	[smem:$0x3FAE] =	sst s5  }
0xe: {  	[smem:$0x3FAF] =	sst s6  }
0xf: {  	[smem:$0x3FB0] =	sst s7  }
0x10: {  	[smem:$0x3FB1] =	sst s8  }
0x11: {  	[smem:$0x3FB2] =	sst s9;
	s0 =	simm.s32 @!p0 $0x0  }
0x12: {  	s1 =	sld [smem:$0x3F98];
	s0 =	simm.s32 @p0 $0x1  }
0x13: {  	[smem:$0x3FB3] =	sst s0;
	s0 =	simm.s32 @!p1 $0x0  }
0x14: {  	s2 =	sld [smem:$0x3F97];
	s0 =	simm.s32 @p1 $0x1  }
0x15: {  	[smem:$0x3FB4] =	sst s0;
	s0 =	simm.s32 @!p2 $0x0  }
0x16: {  	s3 =	sld [smem:$0x3FDB];
	s0 =	simm.s32 @p2 $0x1  }
0x17: {  	s4 =	simm.s32 $0x1BF5;
	[smem:$0x3FB6] =	sst s0  }
0x18: {  	s0 =	sld [smem:$0x3F99];
	_ =	swait.ge [sflag:s4], $0x0  }
0x19: {  	s7 =	sld [smem:$0x3F9A]  }
0x1a: {  	s8 =	sadd.s32 $0xFFFFE003, lr  }
0x1b: {  	s9 =	sadd.s32 $0xFFFFFEF7, lr;
	s5 =	simm.s32 $0xFFFFFFFF;
	p2 =	slt.u32 s8, $0xFFFFF086  }
0x1c: {  	p1 =	slt.u32 s9, $0xF7A;
	s5 =	simm.s32 @!p2 $0x0  }
0x1d: {  	s5 =	simm.s32 @p1 $0x1;
	p0 =	seq.s32 s7, s2  }
0x1e: {  	s7 =	smul.u32 @!p0 $0xF7A, s2;
	p2 =	seq.s32 @!p0 s5, $0x0  }
0x1f: {  	s9 =	smul.u32 $0xF7A, s1;
	s8 =	simm.s32 @!p0 $0x1BF5;
	p2 =	por !p2, p0  }
0x20: {  	[sflag:s8] =	ssyncset.s32 @!p0 $0xFFFFF086;
	s6 =	sadd.s32 @!p0 s3, s7;
	s7 =	simm.s32 @!p0 $0x108  }
0x21: {  	s3 =	sadd.s32 s3, s9;
	s6 =	sadd.s32 @!p0 $0x88, s6;
	s7 =	simm.s32 @p2 $0x1082  }
0x22: {  	[simem:s7], [sflag:s8] =	dma.local @!p0 [hbm:s6], $0xF7A  }
0x23: {  	s9 =	sor.u32 $0xD0000000, s2;
	s6 =	simm.s32 $0x108;
	_ =	swait.ge @!p0 [sflag:s8], $0x0  }
0x24: {  	s3 =	sadd.s32 $0x88, s3;
	s6 =	simm.s32 @!p1 $0x1082;
	[sflag:s4] =	ssyncset.s32 $0xFFFFF086  }
0x25: {  	[simem:s6], [sflag:s4] =	dma.local [hbm:s3], $0xF7A  }
0x26: {  	[smem:$0x3F9A] =	sst s1;
	(tag) =	ssettag s2;
	_ =	strace s9  }
0x27: {  	s1 =	sld [smem:$0x3FAA]  }
0x28: {  	s2 =	sld [smem:$0x3FAB]  }
0x29: {  	s4 =	sld [smem:$0x3FAD]  }
0x2a: {  	p0 =	seq.s32 s5, $0x0;
	s5 =	sld [smem:$0x3FAE]  }
0x2b: {  	s6 =	sld [smem:$0x3FAF]  }
0x2c: {  	s7 =	sld [smem:$0x3FB0]  }
0x2d: {  	s3 =	simm.s32 $0x108;
	s8 =	sld [smem:$0x3FB1]  }
0x2e: {  	s3 =	simm.s32 @!p0 $0x1082;
	s9 =	sld [smem:$0x3FB2]  }
0x2f: {  	lr =	sadd.s32 s0, s3;
	s0 =	sld [smem:$0x3FA9]  }
0x30: {  	s3 =	sld [smem:$0x3FAC]  }
0x31: {  	[smem:$0x3FB5] =	sst s10  }
0x32: {  	s10 =	sld [smem:$0x3FB3];
	_ =	sdelay $0x3  }
0x33: {  	p0 =	seq.s32 s10, $0x1;
	s10 =	sld [smem:$0x3FB5];
	_ =	sdelay $0x3  }
0x34: {  	[smem:$0x3FB5] =	sst s10  }
0x35: {  	s10 =	sld [smem:$0x3FB4];
	_ =	sdelay $0x3  }
0x36: {  	p1 =	seq.s32 s10, $0x1;
	s10 =	sld [smem:$0x3FB5];
	_ =	sdelay $0x3  }
0x37: {  	[smem:$0x3FB5] =	sst s10  }
0x38: {  	s10 =	sld [smem:$0x3FB6]  }
0x39: {  	_ = 	snop;
	(pc) =	sbr.ind lr, $3  }
0x3a: {  	_ = 	snop  }
0x3b: {  	_ = 	snop  }
0x3c: {  	p2 =	seq.s32 s10, $0x1;
	s10 =	sld [smem:$0x3FB5]  }
0x3d: {  	_ =	shalt  }
0x3e: {  	_ =	shalt  }
0x3f: {  	_ =	shalt  }
0x40: {  	_ =	shalt  }
0x41: {  	_ =	shalt  }
0x42: {  	_ =	shalt  }
0x43: {  	_ =	shalt  }
0x44: {  	_ =	shalt  }
0x45: {  	_ =	shalt  }
0x46: {  	_ =	shalt  }
0x47: {  	_ =	shalt  }
0x48: {  	_ =	shalt  }
0x49: {  	_ =	shalt  }
0x4a: {  	_ =	shalt  }
0x4b: {  	_ =	shalt  }
0x4c: {  	_ =	shalt  }
0x4d: {  	_ =	shalt  }
0x4e: {  	_ =	shalt  }
0x4f: {  	_ =	shalt  }
0x50: {  	_ =	shalt  }
0x51: {  	_ =	shalt  }
0x52: {  	_ =	shalt  }
0x53: {  	_ =	shalt  }
0x54: {  	_ =	shalt  }
0x55: {  	_ =	shalt  }
0x56: {  	_ =	shalt  }
0x57: {  	_ =	shalt  }
0x58: {  	_ =	shalt  }
0x59: {  	_ =	shalt  }
0x5a: {  	_ =	shalt  }
0x5b: {  	_ =	shalt  }
0x5c: {  	_ =	shalt  }
0x5d: {  	_ =	shalt  }
0x5e: {  	_ =	shalt  }
0x5f: {  	_ =	shalt  }
0x60: {  	_ =	shalt  }
0x61: {  	_ =	shalt  }
0x62: {  	_ =	shalt  }
0x63: {  	_ =	shalt  }
0x64: {  	_ =	shalt  }
0x65: {  	_ =	shalt  }
0x66: {  	_ =	shalt  }
0x67: {  	_ =	shalt  }
0x68: {  	_ =	shalt  }
0x69: {  	_ =	shalt  }
0x6a: {  	_ =	shalt  }
0x6b: {  	_ =	shalt  }
0x6c: {  	_ =	shalt  }
0x6d: {  	_ =	shalt  }
0x6e: {  	_ =	shalt  }
0x6f: {  	_ =	shalt  }
0x70: {  	_ =	shalt  }
0x71: {  	_ =	shalt  }
0x72: {  	_ =	shalt  }
0x73: {  	_ =	shalt  }
0x74: {  	_ =	shalt  }
0x75: {  	_ =	shalt  }
0x76: {  	_ =	shalt  }
0x77: {  	_ =	shalt  }
0x78: {  	_ =	shalt  }
0x79: {  	_ =	shalt  }
0x7a: {  	_ =	shalt  }
0x7b: {  	_ =	shalt  }
0x7c: {  	_ =	shalt  }
0x7d: {  	_ =	shalt  }
0x7e: {  	_ =	shalt  }
0x7f: {  	_ =	shalt  }
0x80: {  	_ =	shalt  }
0x81: {  	_ =	shalt  }
0x82: {  	_ =	shalt  }
0x83: {  	_ =	shalt  }
0x84: {  	_ =	shalt  }
0x85: {  	_ =	shalt  }
0x86: {  	_ =	shalt  }
0x87: {  	_ =	shalt  }
.Lfunc_end0:
.L_simem_size_0:
called_computation_lowered:
.L_overlay_start_0:
0x88: {  	s2 =	sld [smem:$0x3FD9]  }
0x89: {  	s3 =	sld [smem:$0x3FFE];
	_ =	sdelay $0x1  }
0x8a: {  	s1 =	srdreg.scid  }
0x8b: {  	s0 =	sand.u32 $0x1, s1  }
0x8c: {  	s17 =	sshll.u32 s0, $0xA;
	s2 =	sadd.s32 s3, s2  }
0x8d: {  	s2 =	sadd.s32 s2, s17  }
0x8e: {  	[smem:$0x3FC1] =	sst s2  }
0x8f: {  	_ = 	snop  }
0x90: {  	s2 =	sld [smem:$0x3FD0];
	(tm) =	ssettm $0x1  }
0x91: {  	s18 =	sld [smem:$0x3FFB];
	_ =	sdelay $0x3  }
0x92: {  	_ =	strace s18  }
0x93: {  	s3 =	sld [smem:$0x3FFC];
	_ =	sdelay $0x3  }
0x94: {  	_ =	strace s3  }
0x95: {  	s3 =	sld [smem:$0x3FFD];
	_ =	sdelay $0x3  }
0x96: {  	_ =	strace s3  }
0x97: {  	_ =	strace $0x8FFFFFFF  }
0x98: {  	s19 =	sld [smem:$0x3FDB];
	_ =	sdelay $0x1  }
0x99: {  	s4 =	simm.s32 $_scs_section_size  }
0x9a: {  	s5 =	simm.s32 $_size__tile_overlayer_lowered;
	s6 =	simm.s32 $_tile_overlayer_lowered  }
0x9b: {  	s22 =	simm.s32 $0x1BFF;
	s21 =	sshll.u32 s6, $0x1;
	s3 =	sadd.s32 s4, s19  }
0x9c: {  	s7 =	simm.s32 $0x0;
	s20 =	sshll.u32 s5, $0x1;
	s5 =	sadd.s32 s21, s3  }
0x9d: {  	[timem:s7], [sflag:s22] =	dma.local [hbm:s5], s20  }
0x9e: {  	_ =	swait.ge [sflag:s22], s20  }
0x9f: {  	s4 =	ssub.s32 $0x0, s20;
	[sflag:s22] =	ssyncset.done $0x0  }
0xa0: {  	[sflag:s22] =	ssyncadd.s32 s4;
	_ =	sdelay $0x1  }
0xa1: {  	s23 =	simm.s32 $0x1B8B  }
0xa2: {  	_ =	swait.ge [sflag:s23], $0x1  }
0xa3: {  	[sflag:s23] =	ssyncset.done $0x0  }
0xa4: {  	s25 =	simm.s32 $0x1B8E;
	s24 =	sld [smem:$0x3FFE];
	[sflag:s23] =	ssyncadd.s32 $0xFFFFFFFF  }
0xa5: {  	s26 =	simm.s32 $execute0_lowered;
	[smem:$0x3FD2] =	sst s25  }
0xa6: {  	s5 =	sshll.u32 s26, $0x1;
	_ =	strace $0x80000046;
	[dreg:$0x1] =	wrdreg $0xFFFFFFFF  }
0xa7: {  	s28 =	simm.s32 $_size_execute0_lowered;
	s3 =	sadd.s32 s3, s5;
	[dreg:$0x0] =	wrdreg $0x0  }
0xa8: {  	s5 =	sshll.u32 s28, $0x1;
	[dreg:$0x2] =	wrdreg s3  }
0xa9: {  	[dreg:$0x3] =	wrdreg s5  }
0xaa: {  	[dreg:$0x4] =	wrdreg $0xC0  }
0xab: {  	_ =	task [dreg:s7], $0x5FFFF  }
0xac: {  	[dreg:$0x1] =	wrdreg $0xFFFFFFFF  }
0xad: {  	[dreg:$0x0] =	wrdreg $0x60  }
0xae: {  	[dreg:$0x2] =	wrdreg s24  }
0xaf: {  	[dreg:$0x3] =	wrdreg s2  }
0xb0: {  	[dreg:$0x4] =	wrdreg $0x2C800  }
0xb1: {  	[dreg:$0x5] =	wrdreg $0x9  }
0xb2: {  	_ =	task.clear_ibuf [dreg:s7], $0x6FFFF;
	_ =	strace $0x90000046  }
0xb3: {  	s29 =	simm.s32 $0x9;
	_ =	strace $0x80000048  }
0xb4: {  	_ =	swait.ge [sflag:s29], $0x1  }
0xb5: {  	[sflag:s29] =	ssyncadd.s32 $0xFFFFFFFF  }
0xb6: {  	_ =	strace $0x90000048  }
0xb7: {  	_ =	sfence  }
0xb8: {  	s30 =	sld [smem:$0x0];
	_ =	sdelay $0x2  }
0xb9: {  	s31 =	sshll.u32 s1, $0xD;
	s1 =	sshrl.u32 s1, $0x2  }
0xba: {  	s3 =	sand.u32 $0x4000, s31;
	s1 =	sadd.s32 s1, s30  }
0xbb: {  	s0 =	sor.u32 s3, s0;
	s1 =	sshll.u32 s1, $0x11  }
0xbc: {  	s0 =	sor.u32 s1, s0  }
0xbd: {  	s0 =	sadd.s32 $0x8F2B, s0  }
0xbe: {  	[sflag:s0] =	ssyncadd.remote.s32 $0x1  }
0xbf: {  	_ =	sfence.sel $0xFFFF  }
0xc0: {  	[dreg:$0x0] =	wrdreg $0xFFFFFFFF;
	(pc) =	sbr.abs _section_cstart, $3  }
0xc1: {  	[dreg:$0x1] =	wrdreg $0xFFFFFFFF  }
0xc2: {  	_ =	task.clear_ibuf [dreg:s7], $0x2FFFF;
	_ =	strace $0x9FFFFFFF  }
0xc3: {  	(tm) =	ssettm $0x7FFFFFFF  }
tec
execute0_lowered:
.L_overlay_start_1:
0x0: {  	(tag) =	ssettag $0x1  }
0x1: {  	s0 =	srdreg.scid;
	s5 =	rddreg [dreg:$0x0]  }
0x2: {  	s9 =	rddreg [dreg:$0x1];
	s6 =	sand.u32 $0x1, s0;
	s0 =	stileid.u32  }
0x3: {  	s2 =	rddreg [dreg:$0x2];
	s3 =	simm.s32 $0x0;
	s7 =	smul.u32 $0xFA0, s0  }
0x4: {  	s13 =	simm.s32 $0x7D;
	s14 =	simm.s32 $0x0;
	s8 =	smul.u32 $0x3E8, s0  }
0x5: {  	[smem:$0x7FF] =	sst s3;
	s1 =	sshll.u32 s6, $0x4;
	s11 =	smul.u32 $0x2710, s6  }
0x6: {  	s6 =	ssub.s32 $0x2, s6;
	p0 =	sgt.u32 s0, $0x9;
	s1 =	sor.u32 s0, s1  }
0x7: {  	s12 =	sshrl.u32 s6, $0x1;
	s4 =	smul.u32 $0x500, s1;
	s1 =	rddreg [dreg:$0x3]  }
0x8: {  	_ =	strace $0x80000047;
	s7 =	sshrl.u32 s7, $0x2;
	s11 =	sadd.s32 s8, s11  }
0x9: {  	s12 =	ssub.s32 s6, s12;
	s8 =	sadd.s32 s8, s2;
	s6 =	sadd.s32 s7, s2  }
0xa: {  	s11 =	sshrl.u32 s11, $0x3;
	s10 =	sadd.s32 s4, s5;
	s4 =	sadd.s32 $0xCC00, s5  }
0xb: {  	s5 =	sadd.s32 $0xCE00, s5;
	s9 =	sadd.s32 s9, s11;
	s11 =	simm.s32 $0x1  }
0xc: {  	s7 =	sadd.s32 $0x2C00, s10;
	s10 =	smax.u32 s12, $0x1;
	s12 =	simm.s32 $0x2800  }
.LBB2_1:
0xd: {  	s15 =	simm.s32 @!p0 $0x0;
	s16 =	simm.s32 @!p0 $0x2880  }
0xe: {  	[tilespmem:s16], [sflag:$0x1] =	stream.linear.gather @!p0 [hbm4b:s5+s15], $0x400, $0x38;
	[tilespmem:$0x2EF8] =	vst v63  }
0xf: {  	s15 =	simm.s32 @!p0 $0x1  }
0x10: {  	_ =	swait.ge @!p0 [sflag:s15], $0x400  }
0x11: {  	[sflag:s15] =	ssyncset.done @!p0 $0x0  }
0x12: {  	[sflag:s15] =	ssyncadd.s32 @!p0 $0xFFFFFC00  }
0x13: {  	[spmem:s6] =	stream.linear.scatter @!p0 [tilespmem:s16], [sflag:$0x1], $0x3E8, $0x38;
	[tilespmem:$0x2EF8] =	vst v63  }
0x14: {  	_ =	swait.ge @!p0 [sflag:s15], $0x3E8  }
0x15: {  	[sflag:s15] =	ssyncset.done @!p0 $0x0  }
0x16: {  	[sflag:s15] =	ssyncadd.s32 @!p0 $0xFFFFFC18  }
0x17: {  	[tilespmem:s3], [sflag:$0x1] =	stream.linear.gather [hbm4b:s7+s3], $0x2800, $0x38;
	[tilespmem:$0x2EF8] =	vst v63  }
0x18: {  	_ =	swait.ge [sflag:s11], $0x2800  }
0x19: {  	[sflag:s11] =	ssyncset.done $0x0  }
0x1a: {  	[sflag:s11] =	ssyncadd.s32 $0xFFFFD800  }
0x1b: {  	[tilespmem:s12], [sflag:$0x1] =	stream.linear.gather [hbm4b:s4+s3], $0x80, $0x38;
	[tilespmem:$0x2EF8] =	vst v63  }
0x1c: {  	_ =	swait.ge [sflag:s11], $0x80  }
0x1d: {  	[sflag:s11] =	ssyncset.done $0x0  }
0x1e: {  	[sflag:s11] =	ssyncadd.s32 $0xFFFFFF80  }
0x1f: {  	s31 =	simm.s32 $0x0;
	[bflag:$0x0] =	sbarrier.arrive $0xFFFF  }
0x20: {  	[spmem:s2] =	stream.indirect.scatter.add.f32 [tilespmem:s12], [sflag:$0x1], $0x1, s31, s13, $0xb8;
	[tilespmem:$0x2EF8] =	vst v63  }
0x21: {  	_ =	swait.ge [sflag:s11], $0x7D  }
0x22: {  	s15 =	simm.s32 $0x200;
	[sflag:s11] =	ssyncset.done $0x0  }
.LBB2_2:
0x23: {  	s16 =	sshra.s32 s15, $0x2;
	[sflag:s11] =	ssyncadd.s32 $0xFFFFFF83;
	p1 =	sne.s32 s15, $0x9E00  }
0x24: {  	[spmem:s2] =	stream.indirect.scatter.add.f32 [tilespmem:s12], [sflag:$0x1], $0x1, s16, s13, $0xb8;
	[tilespmem:$0x2EF8] =	vst v63  }
.Ltmp0:
0x25: {  	_ = 	snop;
	(pc) =	sbr.rel @p1 .LBB2_2-.Ltmp0, $4  }
0x26: {  	_ = 	snop  }
0x27: {  	s15 =	sadd.s32 $0x200, s15  }
0x28: {  	_ =	swait.ge [sflag:s11], $0x7D  }
0x29: {  	[sflag:s11] =	ssyncset.done $0x0  }
0x2a: {  	[sflag:s11] =	ssyncadd.s32 $0xFFFFFF83  }
0x2b: {  	s15 =	simm.s32 @!p0 $0x2880;
	s16 =	simm.s32 @!p0 $0x1;
	[bflag:$0x0] =	sbarrier.arrive $0xFFFF  }
0x2c: {  	[tilespmem:s15], [sflag:$0x1] =	stream.linear.gather @!p0 [spmem:s8], $0x3E8, $0x38;
	[tilespmem:$0x2EF8] =	vst v63  }
0x2d: {  	s14 =	sadd.s32 $0x1, s14;
	_ =	swait.ge @!p0 [sflag:s16], $0x3E8  }
0x2e: {  	p1 =	sne.s32 s14, s10;
	[sflag:s16] =	ssyncset.done @!p0 $0x0  }
.Ltmp1:
0x2f: {  	s17 =	simm.s32 @!p0 $0x0;
	[sflag:s16] =	ssyncadd.s32 @!p0 $0xFFFFFC18;
	(pc) =	sbr.rel @p1 .LBB2_1-.Ltmp1, $4  }
0x30: {  	[hbm4b:s9+s17] =	stream.linear.scatter @!p0 [tilespmem:s15], [sflag:$0x1], $0x3E8, $0x38;
	[tilespmem:$0x2EF8] =	vst v63  }
0x31: {  	_ =	swait.ge @!p0 [sflag:s16], $0x3E8  }
0x32: {  	[sflag:s16] =	ssyncset.done @!p0 $0x0  }
0x33: {  	[sflag:s16] =	ssyncadd.s32 @!p0 $0xFFFFFC18  }
0x34: {  	_ =	sfence.sel $0x180000  }
0x35: {  	[bflag:$0x0] =	sbarrier.arrive $0xFFFF  }
0x36: {  	p0 =	sne.s32 s0, $0x0;
	_ =	strace $0x90000047  }
0x37: {  	s0 =	sadd.s32 @!p0 $0x100000, s1;
	[bflag:$0x2] =	sbarrier.arrive $0xFFFF  }
0x38: {  	[sflag:s0] =	ssyncadd.tile.s32 @!p0 $0x1;
	_ =	shalt  }
.Lfunc_end2:
_tile_overlayer_lowered:
.L_overlay_start_2:
0x39: {  	(tag) =	ssettag $0x2  }
0x3a: {  	s0 =	rddreg [dreg:$0x0];
	s2 =	stileid.u32  }
0x3b: {  	s1 =	rddreg [dreg:$0x1];
	p0 =	sne.s32 s2, $0x0  }
0x3c: {  	s3 =	rddreg [dreg:$0x2];
	[bflag:$0x3] =	sbarrier.arrive $0xFFFF;
	s2 =	simm.s32 @!p0 $0x1C01  }
0x3d: {  	[timem:s3], [sflag:s2] =	dma.local @!p0 [hbm:s0], s1  }
0x3e: {  	s0 =	simm.s32 @!p0 $0x1  }
0x3f: {  	_ =	swait.ge @!p0 [sflag:s0], s1  }
0x40: {  	s1 =	ssub.s32 @!p0 $0x0, s1;
	[sflag:s0] =	ssyncset.done @!p0 $0x0  }
0x41: {  	[sflag:s0] =	ssyncadd.s32 @!p0 s1  }
0x42: {  	[bflag:$0x3] =	sbarrier.arrive $0xFFFF  }
0x43: {  	_ =	shalt  }

</sc_bundles>
